<compile_context>
chip_gen: v7x
topology: tpu7x:2x2x1
jax: 0.10.2.dev20260603
libtpu: 0.0.44.dev20260713+nightly
codegen_flags: <defaults>
</compile_context>

<pallas_src>
import functools

import numpy as np
import jax
import jax.numpy as jnp
from jax import lax
from jax.experimental import pallas as pl
from jax.experimental.pallas import tpu as pltpu
from jax.experimental.pallas import tpu_sc as plsc

_B = 64
_NC = 256
_NF = 4096
_D = 32
_HC, _WC = 16, 16
_HF, _WF = 64, 64
_HO, _WO = 32, 32
_NPIX = _HO * _WO

_NW = 32
_RPW = _B // _NW
_LANES = 16
_CHUNKS = _NF // _LANES
_DN_CHUNKS = _NPIX // _LANES

_BB = 16


def _interp_axis(out_size, in_size):
    ys = np.arange(out_size, dtype=np.float64) * ((in_size - 1) / (out_size - 1))
    y0 = np.floor(ys).astype(np.int64)
    y1 = np.minimum(y0 + 1, in_size - 1)
    w = (ys - y0).astype(np.float32)
    return y0, y1, w


def _interp_matrix(out_size, in_size):
    y0, y1, w = _interp_axis(out_size, in_size)
    m = np.zeros((out_size, in_size), np.float32)
    m[np.arange(out_size), y0] += 1.0 - w
    m[np.arange(out_size), y1] += w
    return m


_KUP_T = np.kron(_interp_matrix(_HO, _HC), _interp_matrix(_WO, _WC)).T.copy()

_y0, _y1, _wy = _interp_axis(_HO, _HF)
_x0, _x1, _wx = _interp_axis(_WO, _WF)
_dn_idx = np.stack([
    (_y0[:, None] * _WF + _x0[None, :]).ravel(),
    (_y0[:, None] * _WF + _x1[None, :]).ravel(),
    (_y1[:, None] * _WF + _x0[None, :]).ravel(),
    (_y1[:, None] * _WF + _x1[None, :]).ravel(),
]).astype(np.int32).ravel()
_dn_w = np.stack([
    ((1 - _wy)[:, None] * (1 - _wx)[None, :]).ravel(),
    ((1 - _wy)[:, None] * _wx[None, :]).ravel(),
    (_wy[:, None] * (1 - _wx)[None, :]).ravel(),
    (_wy[:, None] * _wx[None, :]).ravel(),
]).astype(np.float32).ravel()


def _proj_body(tok_ref, wc_ref, wf_ref, bc_ref, bf_ref, cf_ref, ff_ref):
    for i in range(_BB):
        tokt = tok_ref[i]
        cf = jnp.dot(wc_ref[...], tokt[:, :_NC],
                     preferred_element_type=jnp.float32)
        ff = jnp.dot(wf_ref[...], tokt[:, _NC:],
                     preferred_element_type=jnp.float32)
        cf_ref[i, :] = cf[0] + bc_ref[0]
        ff_ref[i, :] = ff[0] + bf_ref[0]


def _run_proj(tokens_t, w_coarse, w_fine, b_coarse, b_fine):
    return pl.pallas_call(
        _proj_body,
        grid=(_B // _BB,),
        in_specs=[
            pl.BlockSpec((_BB, _D, _NC + _NF), lambda b: (b, 0, 0)),
            pl.BlockSpec((1, _D), lambda b: (0, 0)),
            pl.BlockSpec((1, _D), lambda b: (0, 0)),
            pl.BlockSpec(memory_space=pltpu.SMEM),
            pl.BlockSpec(memory_space=pltpu.SMEM),
        ],
        out_specs=[
            pl.BlockSpec((_BB, _NC), lambda b: (b, 0)),
            pl.BlockSpec((_BB, _NF), lambda b: (b, 0)),
        ],
        out_shape=[
            jax.ShapeDtypeStruct((_B, _NC), jnp.float32),
            jax.ShapeDtypeStruct((_B, _NF), jnp.float32),
        ],
    )(tokens_t, w_coarse, w_fine, b_coarse, b_fine)


def _sc_body(feats_hbm, mask_hbm, idx_hbm, w_hbm, out_hbm,
             feats_v, mask_v, flat_v, idx_v, w_v, dn_v):
    cid = lax.axis_index("c")
    sid = lax.axis_index("s")
    wid = sid * 2 + cid
    pltpu.sync_copy(idx_hbm, idx_v)
    pltpu.sync_copy(w_hbm, w_v)
    b0 = wid * _RPW
    for j in range(_RPW):
        pltpu.sync_copy(feats_hbm.at[b0 + j], feats_v.at[pl.ds(j * _NF, _NF)])
        pltpu.sync_copy(mask_hbm.at[b0 + j], mask_v.at[pl.ds(j * _NF, _NF)])

    def chunk(k, carry):
        nxt = []
        for j in range(_RPW):
            o = j * _NF + k * _LANES
            m = mask_v[pl.ds(o, _LANES)]
            cs = plsc.cumsum(m)
            gidx = jnp.maximum(cs + (carry[j] - 1), 0) + j * _NF
            g = plsc.load_gather(feats_v, [gidx])
            flat_v[pl.ds(o, _LANES)] = g * m.astype(jnp.float32)
            nxt.append(carry[j] + jnp.sum(m))
        return tuple(nxt)

    lax.fori_loop(0, _CHUNKS, chunk, (jnp.int32(0),) * _RPW)

    def dn_chunk(k, carry):
        o = k * _LANES
        for j in range(_RPW):
            acc = jnp.zeros((_LANES,), jnp.float32)
            for t in range(4):
                it = idx_v[pl.ds(t * _NPIX + o, _LANES)]
                wt = w_v[pl.ds(t * _NPIX + o, _LANES)]
                acc = acc + plsc.load_gather(flat_v, [it + j * _NF]) * wt
            dn_v[pl.ds(j * _NPIX + o, _LANES)] = acc
        return carry

    lax.fori_loop(0, _DN_CHUNKS, dn_chunk, jnp.int32(0))
    for j in range(_RPW):
        pltpu.sync_copy(dn_v.at[pl.ds(j * _NPIX, _NPIX)], out_hbm.at[b0 + j])


@functools.cache
def _sc_scatter():
    return pl.kernel(
        _sc_body,
        out_type=jax.ShapeDtypeStruct((_B, _NPIX), jnp.float32),
        mesh=plsc.VectorSubcoreMesh(core_axis_name="c", subcore_axis_name="s"),
        scratch_types=[
            pltpu.VMEM((_RPW * _NF,), jnp.float32),
            pltpu.VMEM((_RPW * _NF,), jnp.int32),
            pltpu.VMEM((_RPW * _NF,), jnp.float32),
            pltpu.VMEM((4 * _NPIX,), jnp.int32),
            pltpu.VMEM((4 * _NPIX,), jnp.float32),
            pltpu.VMEM((_RPW * _NPIX,), jnp.float32),
        ],
        compiler_params=pltpu.CompilerParams(needs_layout_passes=False),
    )


def _shift_flat(x, dy, dx):
    s = _WO * dy + dx
    nb, n = x.shape
    if s > 0:
        x = jnp.concatenate([x[:, s:], jnp.zeros((nb, s), x.dtype)], axis=1)
    elif s < 0:
        x = jnp.concatenate([jnp.zeros((nb, -s), x.dtype), x[:, :s]], axis=1)
    return x


def _post_body(cf_ref, dn_ref, kup_ref, w1_ref, b1_ref, w2_ref, b2_ref, out_ref):
    cu = jnp.dot(cf_ref[...], kup_ref[...],
                 preferred_element_type=jnp.float32)
    fu = dn_ref[...]
    col = lax.broadcasted_iota(jnp.int32, (_B, _NPIX), 1) % _WO
    mask_p = (col <= _WO - 2).astype(jnp.float32)
    mask_m = (col >= 1).astype(jnp.float32)

    def taps(x):
        out = {}
        for dy in (-1, 0, 1):
            for dx in (-1, 0, 1):
                y = _shift_flat(x, dy, dx)
                if dx == 1:
                    y = y * mask_p
                elif dx == -1:
                    y = y * mask_m
                out[(dy, dx)] = y
        return out

    sh = [taps(cu), taps(fu)]
    hidden = []
    for co in range(2):
        acc = jnp.zeros((_B, _NPIX), jnp.float32) + b1_ref[co]
        for ci in range(2):
            for ky in range(3):
                for kx in range(3):
                    acc = acc + w1_ref[co, ci, ky, kx] * sh[ci][(ky - 1, kx - 1)]
        hidden.append(jnp.maximum(acc, 0.0))
    sh2 = [taps(hidden[0]), taps(hidden[1])]
    out = jnp.zeros((_B, _NPIX), jnp.float32) + b2_ref[0]
    for ci in range(2):
        for ky in range(3):
            for kx in range(3):
                out = out + w2_ref[0, ci, ky, kx] * sh2[ci][(ky - 1, kx - 1)]
    out_ref[...] = out


def _run_post(cf, dn, conv1_w, conv1_b, conv2_w, conv2_b):
    return pl.pallas_call(
        _post_body,
        in_specs=[
            pl.BlockSpec((_B, _NC), lambda: (0, 0)),
            pl.BlockSpec((_B, _NPIX), lambda: (0, 0)),
            pl.BlockSpec((_NC, _NPIX), lambda: (0, 0)),
            pl.BlockSpec(memory_space=pltpu.SMEM),
            pl.BlockSpec(memory_space=pltpu.SMEM),
            pl.BlockSpec(memory_space=pltpu.SMEM),
            pl.BlockSpec(memory_space=pltpu.SMEM),
        ],
        out_specs=pl.BlockSpec((_B, _NPIX), lambda: (0, 0)),
        out_shape=jax.ShapeDtypeStruct((_B, _NPIX), jnp.float32),
    )(cf, dn, jnp.asarray(_KUP_T), conv1_w, conv1_b, conv2_w, conv2_b)


def kernel(tokens, HcWc, HfWf, mask_flat, B, W_coarse, b_coarse, W_fine, b_fine,
           conv1_w, conv1_b, conv2_w, conv2_b):
    del HcWc, HfWf, B
    tokens_t = tokens.transpose(0, 2, 1)
    cf, ff = _run_proj(tokens_t, W_coarse, W_fine, b_coarse, b_fine)
    dn = _sc_scatter()(ff, mask_flat, jnp.asarray(_dn_idx), jnp.asarray(_dn_w))
    out = _run_post(cf, dn, conv1_w, conv1_b, conv2_w, conv2_b)
    return out.reshape(_B, 1, _HO, _WO)

# --- scband reference (transcript-rebuilt; emitter-appended) ---
"""Pipeline reference for scband-multi-scale-decoder-28252294873696 (READ-ONLY COPY).

The authoritative reference and input builder live on the scoring server;
editing this copy changes nothing except your own understanding.
"""

import jax, jax.numpy as jnp
import numpy as np

EMBED_DIM = 32
OUT = 1
B_SZ = 64
HC, WC = 16, 16
HF, WF = 64, 64


def _bilinear_align_corners(x, oh, ow):
    # x: [B, C, H, W] -> [B, C, oh, ow], matching F.interpolate(mode='bilinear', align_corners=True)
    B, C, H, W = x.shape
    ys = jnp.arange(oh, dtype=jnp.float32) * ((H - 1) / (oh - 1)) if oh > 1 else jnp.zeros((oh,), jnp.float32)
    xs = jnp.arange(ow, dtype=jnp.float32) * ((W - 1) / (ow - 1)) if ow > 1 else jnp.zeros((ow,), jnp.float32)
    y0 = jnp.floor(ys).astype(jnp.int32)
    x0 = jnp.floor(xs).astype(jnp.int32)
    y1 = jnp.minimum(y0 + 1, H - 1)
    x1 = jnp.minimum(x0 + 1, W - 1)
    wy = (ys - y0.astype(jnp.float32))[None, None, :, None]
    wx = (xs - x0.astype(jnp.float32))[None, None, None, :]
    Ia = x[:, :, y0[:, None], x0[None, :]]
    Ib = x[:, :, y0[:, None], x1[None, :]]
    Ic = x[:, :, y1[:, None], x0[None, :]]
    Id = x[:, :, y1[:, None], x1[None, :]]
    top = Ia * (1.0 - wx) + Ib * wx
    bot = Ic * (1.0 - wx) + Id * wx
    return top * (1.0 - wy) + bot * wy


def _conv3x3(x, w, b):
    y = jax.lax.conv_general_dilated(x, w, window_strides=(1, 1), padding=((1, 1), (1, 1)),
                                     dimension_numbers=('NCHW', 'OIHW', 'NCHW'))
    return y + b[None, :, None, None]


def setup_inputs(seed: int = 0):
    key = jax.random.key(seed)
    ks = jax.random.split(key, 8)
    Nc = HC * WC
    Nf = HF * WF
    tokens = jax.random.normal(ks[0], (B_SZ, Nc + Nf, EMBED_DIM), dtype=jnp.float32)
    mask_flat = jax.random.randint(ks[1], (B_SZ, Nf), 0, 2).astype(jnp.int32)
    W_coarse = jax.random.normal(ks[2], (OUT, EMBED_DIM), dtype=jnp.float32) * 0.05
    b_coarse = jnp.zeros((OUT,), jnp.float32)
    W_fine = jax.random.normal(ks[3], (OUT, EMBED_DIM), dtype=jnp.float32) * 0.05
    b_fine = jnp.zeros((OUT,), jnp.float32)
    conv1_w = jax.random.normal(ks[4], (2 * OUT, 2 * OUT, 3, 3), dtype=jnp.float32) * 0.05
    conv1_b = jnp.zeros((2 * OUT,), jnp.float32)
    conv2_w = jax.random.normal(ks[5], (OUT, 2 * OUT, 3, 3), dtype=jnp.float32) * 0.05
    conv2_b = jnp.zeros((OUT,), jnp.float32)
    return {"tokens": tokens, "HcWc": (HC, WC), "HfWf": (HF, WF), "mask_flat": mask_flat, "B": B_SZ,
            "W_coarse": W_coarse, "b_coarse": b_coarse, "W_fine": W_fine, "b_fine": b_fine,
            "conv1_w": conv1_w, "conv1_b": conv1_b, "conv2_w": conv2_w, "conv2_b": conv2_b}


def reference(tokens, HcWc, HfWf, mask_flat, B, W_coarse, b_coarse, W_fine, b_fine,
              conv1_w, conv1_b, conv2_w, conv2_b):
    Bs = tokens.shape[0]
    Nf = mask_flat.shape[1]
    Nc = tokens.shape[1] - Nf
    Hc, Wc = HC, WC
    Hf, Wf = HF, WF
    dep = ((jnp.asarray(HcWc[0]) - Hc) + (jnp.asarray(HcWc[1]) - Wc)
           + (jnp.asarray(HfWf[0]) - Hf) + (jnp.asarray(HfWf[1]) - Wf)
           + (jnp.asarray(B) - Bs)).astype(jnp.float32)
    coarse_tokens = tokens[:, :Nc]
    fine_tokens = tokens[:, Nc:]
    # coarse branch
    coarse = coarse_tokens @ W_coarse.T + b_coarse            # [B, Nc, OUT]
    coarse = coarse.reshape(Bs, Hc, Wc, OUT).transpose(0, 3, 1, 2)
    coarse_up = _bilinear_align_corners(coarse, 32, 32)
    # fine branch: k-th nonzero position of mask_flat[b] receives fine_proj(fine_tokens[b, k]).
    # rank[b, p] = (# ones in mask_flat[b, :p+1]) - 1 is exactly that k; gather formulation is exact.
    fine_feats = fine_tokens @ W_fine.T + b_fine               # [B, Hf*Wf, OUT]
    rank = jnp.cumsum(mask_flat, axis=1) - 1
    idx = jnp.clip(rank, 0, fine_feats.shape[1] - 1)
    gathered = jnp.take_along_axis(fine_feats, idx[:, :, None], axis=1)
    fine_flat = gathered * mask_flat[:, :, None].astype(gathered.dtype)
    fine_map = fine_flat.reshape(Bs, Hf, Wf, OUT).transpose(0, 3, 1, 2)
    fine_up = _bilinear_align_corners(fine_map, 32, 32)
    fused = jnp.concatenate([coarse_up, fine_up], axis=1)
    h = jnp.maximum(_conv3x3(fused, conv1_w, conv1_b), 0.0)
    out = _conv3x3(h, conv2_w, conv2_b)
    out = out + dep * 0.0
    return out

if __name__ == "__main__":
    import jax
    _d = setup_inputs()
    print(jax.jit(kernel)(*tuple(_d.values())))

</pallas_src>

<mosaic_0001>
#map = affine_map<(d0, d1) -> (0, 0)>
#map1 = affine_map<(d0, d1) -> (0)>
module attributes {stable_mosaic.version = 14 : i64} {
  func.func @_sc_body(%arg0: i32, %arg1: i32, %arg2: memref<64x4096xf32, #tpu.memory_space<hbm>>, %arg3: memref<64x4096xi32, #tpu.memory_space<hbm>>, %arg4: memref<4096xi32, #tpu.memory_space<hbm>>, %arg5: memref<4096xf32, #tpu.memory_space<hbm>>, %arg6: memref<64x1024xf32, #tpu.memory_space<hbm>>, %arg7: memref<8192xf32, #tpu.memory_space<vmem>>, %arg8: memref<8192xi32, #tpu.memory_space<vmem>>, %arg9: memref<8192xf32, #tpu.memory_space<vmem>>, %arg10: memref<4096xi32, #tpu.memory_space<vmem>>, %arg11: memref<4096xf32, #tpu.memory_space<vmem>>, %arg12: memref<2048xf32, #tpu.memory_space<vmem>>) attributes {dimension_semantics = [#tpu.dimension_semantics<core_parallel>, #tpu.dimension_semantics<subcore_parallel>], iteration_bounds = array<i64: 2, 16>, scalar_prefetch = 0 : i64, scratch_operands = 6 : i64, tpu.core_type = #tpu.core_type<sc_vector_subcore>, window_params = [{transform_indices = #map}, {transform_indices = #map}, {transform_indices = #map1}, {transform_indices = #map1}, {transform_indices = #map}]} {
    %mul3A = arith.constant 2 : i32
    %mul3A_0 = arith.muli %arg1, %mul3A : i32
    %add3A = arith.addi %mul3A_0, %arg0 : i32
    "tpu.region"() ({
      %run_scoped3A = tpu.sem_alloc : memref<!tpu.dma_semaphore, #tpu.memory_space<semaphore_mem>>
      tpu.enqueue_dma source(%arg4 : memref<4096xi32, #tpu.memory_space<hbm>>) target(%arg10 : memref<4096xi32, #tpu.memory_space<vmem>>) target_semaphore(%run_scoped3A : memref<!tpu.dma_semaphore, #tpu.memory_space<semaphore_mem>>)
      tpu.wait_dma2 semaphore(%run_scoped3A : memref<!tpu.dma_semaphore, #tpu.memory_space<semaphore_mem>>) src(%arg4 : memref<4096xi32, #tpu.memory_space<hbm>>) dst(%arg10 : memref<4096xi32, #tpu.memory_space<vmem>>)
      tpu.yield
    }) : () -> ()
    "tpu.region"() ({
      %run_scoped3A = tpu.sem_alloc : memref<!tpu.dma_semaphore, #tpu.memory_space<semaphore_mem>>
      tpu.enqueue_dma source(%arg5 : memref<4096xf32, #tpu.memory_space<hbm>>) target(%arg11 : memref<4096xf32, #tpu.memory_space<vmem>>) target_semaphore(%run_scoped3A : memref<!tpu.dma_semaphore, #tpu.memory_space<semaphore_mem>>)
      tpu.wait_dma2 semaphore(%run_scoped3A : memref<!tpu.dma_semaphore, #tpu.memory_space<semaphore_mem>>) src(%arg5 : memref<4096xf32, #tpu.memory_space<hbm>>) dst(%arg11 : memref<4096xf32, #tpu.memory_space<vmem>>)
      tpu.yield
    }) : () -> ()
    %mul3A_1 = arith.constant 2 : i32
    %mul3A_2 = arith.muli %add3A, %mul3A_1 : i32
    %add3A_3 = arith.constant 0 : i32
    %add3A_4 = arith.addi %mul3A_2, %add3A_3 : i32
    "tpu.region"() ({
      %run_scoped3A = tpu.sem_alloc : memref<!tpu.dma_semaphore, #tpu.memory_space<semaphore_mem>>
      %dma_start3A = arith.constant 0 : i32
      %dma_start3A_28 = tpu.memref_slice %arg7[%dma_start3A] : memref<8192xf32, #tpu.memory_space<vmem>> -> memref<4096xf32, #tpu.memory_space<vmem>>
      %dma_start3A_29 = arith.constant 0 : i32
      %dma_start3A_30 = tpu.memref_slice %arg2[%add3A_4, %dma_start3A_29] : memref<64x4096xf32, #tpu.memory_space<hbm>> -> memref<1x4096xf32, #tpu.memory_space<hbm>>
      %dma_start3A_31 = tpu.memref_squeeze %dma_start3A_30 : memref<1x4096xf32, #tpu.memory_space<hbm>> -> memref<4096xf32, #tpu.memory_space<hbm>>
      %dma_start3A_32 = arith.constant 0 : i32
      %dma_start3A_33 = tpu.memref_slice %arg7[%dma_start3A_32] : memref<8192xf32, #tpu.memory_space<vmem>> -> memref<4096xf32, #tpu.memory_space<vmem>>
      %dma_start3A_34 = arith.constant 0 : i32
      %dma_start3A_35 = tpu.memref_slice %arg2[%add3A_4, %dma_start3A_34] : memref<64x4096xf32, #tpu.memory_space<hbm>> -> memref<1x4096xf32, #tpu.memory_space<hbm>>
      %dma_start3A_36 = tpu.memref_squeeze %dma_start3A_35 : memref<1x4096xf32, #tpu.memory_space<hbm>> -> memref<4096xf32, #tpu.memory_space<hbm>>
      tpu.enqueue_dma source(%dma_start3A_36 : memref<4096xf32, #tpu.memory_space<hbm>>) target(%dma_start3A_33 : memref<4096xf32, #tpu.memory_space<vmem>>) target_semaphore(%run_scoped3A : memref<!tpu.dma_semaphore, #tpu.memory_space<semaphore_mem>>)
      %dma_wait3A = arith.constant 0 : i32
      %dma_wait3A_37 = tpu.memref_slice %arg7[%dma_wait3A] : memref<8192xf32, #tpu.memory_space<vmem>> -> memref<4096xf32, #tpu.memory_space<vmem>>
      %dma_wait3A_38 = arith.constant 0 : i32
      %dma_wait3A_39 = tpu.memref_slice %arg2[%add3A_4, %dma_wait3A_38] : memref<64x4096xf32, #tpu.memory_space<hbm>> -> memref<1x4096xf32, #tpu.memory_space<hbm>>
      %dma_wait3A_40 = tpu.memref_squeeze %dma_wait3A_39 : memref<1x4096xf32, #tpu.memory_space<hbm>> -> memref<4096xf32, #tpu.memory_space<hbm>>
      %dma_wait3A_41 = arith.constant 0 : i32
      %dma_wait3A_42 = tpu.memref_slice %arg7[%dma_wait3A_41] : memref<8192xf32, #tpu.memory_space<vmem>> -> memref<4096xf32, #tpu.memory_space<vmem>>
      %dma_wait3A_43 = arith.constant 0 : i32
      %dma_wait3A_44 = tpu.memref_slice %arg2[%add3A_4, %dma_wait3A_43] : memref<64x4096xf32, #tpu.memory_space<hbm>> -> memref<1x4096xf32, #tpu.memory_space<hbm>>
      %dma_wait3A_45 = tpu.memref_squeeze %dma_wait3A_44 : memref<1x4096xf32, #tpu.memory_space<hbm>> -> memref<4096xf32, #tpu.memory_space<hbm>>
      tpu.wait_dma2 semaphore(%run_scoped3A : memref<!tpu.dma_semaphore, #tpu.memory_space<semaphore_mem>>) src(%dma_wait3A_45 : memref<4096xf32, #tpu.memory_space<hbm>>) dst(%dma_wait3A_42 : memref<4096xf32, #tpu.memory_space<vmem>>)
      tpu.yield
    }) : () -> ()
    %add3A_5 = arith.constant 0 : i32
    %add3A_6 = arith.addi %mul3A_2, %add3A_5 : i32
    "tpu.region"() ({
      %run_scoped3A = tpu.sem_alloc : memref<!tpu.dma_semaphore, #tpu.memory_space<semaphore_mem>>
      %dma_start3A = arith.constant 0 : i32
      %dma_start3A_28 = tpu.memref_slice %arg8[%dma_start3A] : memref<8192xi32, #tpu.memory_space<vmem>> -> memref<4096xi32, #tpu.memory_space<vmem>>
      %dma_start3A_29 = arith.constant 0 : i32
      %dma_start3A_30 = tpu.memref_slice %arg3[%add3A_6, %dma_start3A_29] : memref<64x4096xi32, #tpu.memory_space<hbm>> -> memref<1x4096xi32, #tpu.memory_space<hbm>>
      %dma_start3A_31 = tpu.memref_squeeze %dma_start3A_30 : memref<1x4096xi32, #tpu.memory_space<hbm>> -> memref<4096xi32, #tpu.memory_space<hbm>>
      %dma_start3A_32 = arith.constant 0 : i32
      %dma_start3A_33 = tpu.memref_slice %arg8[%dma_start3A_32] : memref<8192xi32, #tpu.memory_space<vmem>> -> memref<4096xi32, #tpu.memory_space<vmem>>
      %dma_start3A_34 = arith.constant 0 : i32
      %dma_start3A_35 = tpu.memref_slice %arg3[%add3A_6, %dma_start3A_34] : memref<64x4096xi32, #tpu.memory_space<hbm>> -> memref<1x4096xi32, #tpu.memory_space<hbm>>
      %dma_start3A_36 = tpu.memref_squeeze %dma_start3A_35 : memref<1x4096xi32, #tpu.memory_space<hbm>> -> memref<4096xi32, #tpu.memory_space<hbm>>
      tpu.enqueue_dma source(%dma_start3A_36 : memref<4096xi32, #tpu.memory_space<hbm>>) target(%dma_start3A_33 : memref<4096xi32, #tpu.memory_space<vmem>>) target_semaphore(%run_scoped3A : memref<!tpu.dma_semaphore, #tpu.memory_space<semaphore_mem>>)
      %dma_wait3A = arith.constant 0 : i32
      %dma_wait3A_37 = tpu.memref_slice %arg8[%dma_wait3A] : memref<8192xi32, #tpu.memory_space<vmem>> -> memref<4096xi32, #tpu.memory_space<vmem>>
      %dma_wait3A_38 = arith.constant 0 : i32
      %dma_wait3A_39 = tpu.memref_slice %arg3[%add3A_6, %dma_wait3A_38] : memref<64x4096xi32, #tpu.memory_space<hbm>> -> memref<1x4096xi32, #tpu.memory_space<hbm>>
      %dma_wait3A_40 = tpu.memref_squeeze %dma_wait3A_39 : memref<1x4096xi32, #tpu.memory_space<hbm>> -> memref<4096xi32, #tpu.memory_space<hbm>>
      %dma_wait3A_41 = arith.constant 0 : i32
      %dma_wait3A_42 = tpu.memref_slice %arg8[%dma_wait3A_41] : memref<8192xi32, #tpu.memory_space<vmem>> -> memref<4096xi32, #tpu.memory_space<vmem>>
      %dma_wait3A_43 = arith.constant 0 : i32
      %dma_wait3A_44 = tpu.memref_slice %arg3[%add3A_6, %dma_wait3A_43] : memref<64x4096xi32, #tpu.memory_space<hbm>> -> memref<1x4096xi32, #tpu.memory_space<hbm>>
      %dma_wait3A_45 = tpu.memref_squeeze %dma_wait3A_44 : memref<1x4096xi32, #tpu.memory_space<hbm>> -> memref<4096xi32, #tpu.memory_space<hbm>>
      tpu.wait_dma2 semaphore(%run_scoped3A : memref<!tpu.dma_semaphore, #tpu.memory_space<semaphore_mem>>) src(%dma_wait3A_45 : memref<4096xi32, #tpu.memory_space<hbm>>) dst(%dma_wait3A_42 : memref<4096xi32, #tpu.memory_space<vmem>>)
      tpu.yield
    }) : () -> ()
    %add3A_7 = arith.constant 1 : i32
    %add3A_8 = arith.addi %mul3A_2, %add3A_7 : i32
    "tpu.region"() ({
      %run_scoped3A = tpu.sem_alloc : memref<!tpu.dma_semaphore, #tpu.memory_space<semaphore_mem>>
      %dma_start3A = arith.constant 4096 : i32
      %dma_start3A_28 = tpu.memref_slice %arg7[%dma_start3A] : memref<8192xf32, #tpu.memory_space<vmem>> -> memref<4096xf32, #tpu.memory_space<vmem>>
      %dma_start3A_29 = arith.constant 0 : i32
      %dma_start3A_30 = tpu.memref_slice %arg2[%add3A_8, %dma_start3A_29] : memref<64x4096xf32, #tpu.memory_space<hbm>> -> memref<1x4096xf32, #tpu.memory_space<hbm>>
      %dma_start3A_31 = tpu.memref_squeeze %dma_start3A_30 : memref<1x4096xf32, #tpu.memory_space<hbm>> -> memref<4096xf32, #tpu.memory_space<hbm>>
      %dma_start3A_32 = arith.constant 4096 : i32
      %dma_start3A_33 = tpu.memref_slice %arg7[%dma_start3A_32] : memref<8192xf32, #tpu.memory_space<vmem>> -> memref<4096xf32, #tpu.memory_space<vmem>>
      %dma_start3A_34 = arith.constant 0 : i32
      %dma_start3A_35 = tpu.memref_slice %arg2[%add3A_8, %dma_start3A_34] : memref<64x4096xf32, #tpu.memory_space<hbm>> -> memref<1x4096xf32, #tpu.memory_space<hbm>>
      %dma_start3A_36 = tpu.memref_squeeze %dma_start3A_35 : memref<1x4096xf32, #tpu.memory_space<hbm>> -> memref<4096xf32, #tpu.memory_space<hbm>>
      tpu.enqueue_dma source(%dma_start3A_36 : memref<4096xf32, #tpu.memory_space<hbm>>) target(%dma_start3A_33 : memref<4096xf32, #tpu.memory_space<vmem>>) target_semaphore(%run_scoped3A : memref<!tpu.dma_semaphore, #tpu.memory_space<semaphore_mem>>)
      %dma_wait3A = arith.constant 4096 : i32
      %dma_wait3A_37 = tpu.memref_slice %arg7[%dma_wait3A] : memref<8192xf32, #tpu.memory_space<vmem>> -> memref<4096xf32, #tpu.memory_space<vmem>>
      %dma_wait3A_38 = arith.constant 0 : i32
      %dma_wait3A_39 = tpu.memref_slice %arg2[%add3A_8, %dma_wait3A_38] : memref<64x4096xf32, #tpu.memory_space<hbm>> -> memref<1x4096xf32, #tpu.memory_space<hbm>>
      %dma_wait3A_40 = tpu.memref_squeeze %dma_wait3A_39 : memref<1x4096xf32, #tpu.memory_space<hbm>> -> memref<4096xf32, #tpu.memory_space<hbm>>
      %dma_wait3A_41 = arith.constant 4096 : i32
      %dma_wait3A_42 = tpu.memref_slice %arg7[%dma_wait3A_41] : memref<8192xf32, #tpu.memory_space<vmem>> -> memref<4096xf32, #tpu.memory_space<vmem>>
      %dma_wait3A_43 = arith.constant 0 : i32
      %dma_wait3A_44 = tpu.memref_slice %arg2[%add3A_8, %dma_wait3A_43] : memref<64x4096xf32, #tpu.memory_space<hbm>> -> memref<1x4096xf32, #tpu.memory_space<hbm>>
      %dma_wait3A_45 = tpu.memref_squeeze %dma_wait3A_44 : memref<1x4096xf32, #tpu.memory_space<hbm>> -> memref<4096xf32, #tpu.memory_space<hbm>>
      tpu.wait_dma2 semaphore(%run_scoped3A : memref<!tpu.dma_semaphore, #tpu.memory_space<semaphore_mem>>) src(%dma_wait3A_45 : memref<4096xf32, #tpu.memory_space<hbm>>) dst(%dma_wait3A_42 : memref<4096xf32, #tpu.memory_space<vmem>>)
      tpu.yield
    }) : () -> ()
    %add3A_9 = arith.constant 1 : i32
    %add3A_10 = arith.addi %mul3A_2, %add3A_9 : i32
    "tpu.region"() ({
      %run_scoped3A = tpu.sem_alloc : memref<!tpu.dma_semaphore, #tpu.memory_space<semaphore_mem>>
      %dma_start3A = arith.constant 4096 : i32
      %dma_start3A_28 = tpu.memref_slice %arg8[%dma_start3A] : memref<8192xi32, #tpu.memory_space<vmem>> -> memref<4096xi32, #tpu.memory_space<vmem>>
      %dma_start3A_29 = arith.constant 0 : i32
      %dma_start3A_30 = tpu.memref_slice %arg3[%add3A_10, %dma_start3A_29] : memref<64x4096xi32, #tpu.memory_space<hbm>> -> memref<1x4096xi32, #tpu.memory_space<hbm>>
      %dma_start3A_31 = tpu.memref_squeeze %dma_start3A_30 : memref<1x4096xi32, #tpu.memory_space<hbm>> -> memref<4096xi32, #tpu.memory_space<hbm>>
      %dma_start3A_32 = arith.constant 4096 : i32
      %dma_start3A_33 = tpu.memref_slice %arg8[%dma_start3A_32] : memref<8192xi32, #tpu.memory_space<vmem>> -> memref<4096xi32, #tpu.memory_space<vmem>>
      %dma_start3A_34 = arith.constant 0 : i32
      %dma_start3A_35 = tpu.memref_slice %arg3[%add3A_10, %dma_start3A_34] : memref<64x4096xi32, #tpu.memory_space<hbm>> -> memref<1x4096xi32, #tpu.memory_space<hbm>>
      %dma_start3A_36 = tpu.memref_squeeze %dma_start3A_35 : memref<1x4096xi32, #tpu.memory_space<hbm>> -> memref<4096xi32, #tpu.memory_space<hbm>>
      tpu.enqueue_dma source(%dma_start3A_36 : memref<4096xi32, #tpu.memory_space<hbm>>) target(%dma_start3A_33 : memref<4096xi32, #tpu.memory_space<vmem>>) target_semaphore(%run_scoped3A : memref<!tpu.dma_semaphore, #tpu.memory_space<semaphore_mem>>)
      %dma_wait3A = arith.constant 4096 : i32
      %dma_wait3A_37 = tpu.memref_slice %arg8[%dma_wait3A] : memref<8192xi32, #tpu.memory_space<vmem>> -> memref<4096xi32, #tpu.memory_space<vmem>>
      %dma_wait3A_38 = arith.constant 0 : i32
      %dma_wait3A_39 = tpu.memref_slice %arg3[%add3A_10, %dma_wait3A_38] : memref<64x4096xi32, #tpu.memory_space<hbm>> -> memref<1x4096xi32, #tpu.memory_space<hbm>>
      %dma_wait3A_40 = tpu.memref_squeeze %dma_wait3A_39 : memref<1x4096xi32, #tpu.memory_space<hbm>> -> memref<4096xi32, #tpu.memory_space<hbm>>
      %dma_wait3A_41 = arith.constant 4096 : i32
      %dma_wait3A_42 = tpu.memref_slice %arg8[%dma_wait3A_41] : memref<8192xi32, #tpu.memory_space<vmem>> -> memref<4096xi32, #tpu.memory_space<vmem>>
      %dma_wait3A_43 = arith.constant 0 : i32
      %dma_wait3A_44 = tpu.memref_slice %arg3[%add3A_10, %dma_wait3A_43] : memref<64x4096xi32, #tpu.memory_space<hbm>> -> memref<1x4096xi32, #tpu.memory_space<hbm>>
      %dma_wait3A_45 = tpu.memref_squeeze %dma_wait3A_44 : memref<1x4096xi32, #tpu.memory_space<hbm>> -> memref<4096xi32, #tpu.memory_space<hbm>>
      tpu.wait_dma2 semaphore(%run_scoped3A : memref<!tpu.dma_semaphore, #tpu.memory_space<semaphore_mem>>) src(%dma_wait3A_45 : memref<4096xi32, #tpu.memory_space<hbm>>) dst(%dma_wait3A_42 : memref<4096xi32, #tpu.memory_space<vmem>>)
      tpu.yield
    }) : () -> ()
    %scan3A = arith.constant 0 : i32
    %scan3A_11 = arith.constant 0 : i32
    %scan3A_12 = arith.constant 0 : i32
    %scan3A_13 = arith.constant 256 : i32
    %scan3A_14 = arith.addi %scan3A_12, %scan3A_13 : i32
    %scan3A_15 = arith.constant 1 : i32
    %scan3A_16:2 = scf.for %scan3A_28 = %scan3A_12 to %scan3A_14 step %scan3A_15 iter_args(%scan3A_29 = %scan3A, %scan3A_30 = %scan3A_11) -> (i32, i32)  : i32 {
      %mul3A_31 = arith.constant 16 : i32
      %mul3A_32 = arith.muli %scan3A_28, %mul3A_31 : i32
      %add3A_33 = arith.constant 0 : i32
      %add3A_34 = arith.addi %add3A_33, %mul3A_32 : i32
      %get3A = arith.index_cast %add3A_34 : i32 to index
      %get3A_35 = tpu.vector_load %arg8[%get3A] {strides = array<i32>} : memref<8192xi32, #tpu.memory_space<vmem>>, vector<16xi32>,
      %broadcast_in_dim3A = arith.constant true
      %broadcast_in_dim3A_36 = vector.broadcast %broadcast_in_dim3A : i1 to vector<16xi1>
      %masked_cumsum3A = tpu.scan <sum>, %get3A_35 masked %broadcast_in_dim3A_36 : vector<16xi32>, vector<16xi1> -> vector<16xi32>
      %sub3A = arith.constant 1 : i32
      %sub3A_37 = arith.subi %scan3A_29, %sub3A : i32
      %add3A_38 = vector.broadcast %sub3A_37 : i32 to vector<16xi32>
      %add3A_39 = arith.addi %masked_cumsum3A, %add3A_38 : vector<16xi32>
      %max3A = arith.constant 0 : i32
      %max3A_40 = vector.broadcast %max3A : i32 to vector<16xi32>
      %max3A_41 = arith.maxsi %add3A_39, %max3A_40 : vector<16xi32>
      %add3A_42 = arith.constant 0 : i32
      %add3A_43 = vector.broadcast %add3A_42 : i32 to vector<16xi32>
      %add3A_44 = arith.addi %max3A_41, %add3A_43 : vector<16xi32>
      %gather3A = tpu.vector_load_idx %arg7[%add3A_44] : memref<8192xf32, #tpu.memory_space<vmem>>[vector<16xi32>], vector<16xf32>,
      %convert_element_type3A = arith.sitofp %get3A_35 : vector<16xi32> to vector<16xf32>
      %mul3A_45 = arith.mulf %gather3A, %convert_element_type3A : vector<16xf32>
      %swap3A = arith.index_cast %add3A_34 : i32 to index
      %swap3A_46 = tpu.vector_load %arg9[%swap3A] {strides = array<i32>} : memref<8192xf32, #tpu.memory_space<vmem>>, vector<16xf32>,
      tpu.vector_store %arg9[%swap3A], %mul3A_45 {strides = array<i32>} : memref<8192xf32, #tpu.memory_space<vmem>>, vector<16xf32>,
      %reduce_sum3A = arith.constant true
      %reduce_sum3A_47 = vector.broadcast %reduce_sum3A : i1 to vector<16xi1>
      %reduce_sum3A_48 = tpu.scan <sum>, %get3A_35 masked %reduce_sum3A_47 : vector<16xi32>, vector<16xi1> -> vector<16xi32>
      %reduce_sum3A_49 = vector.extract %reduce_sum3A_48[15] : i32 from vector<16xi32>
      %add3A_50 = arith.addi %scan3A_29, %reduce_sum3A_49 : i32
      %mul3A_51 = arith.constant 16 : i32
      %mul3A_52 = arith.muli %scan3A_28, %mul3A_51 : i32
      %add3A_53 = arith.constant 4096 : i32
      %add3A_54 = arith.addi %add3A_53, %mul3A_52 : i32
      %get3A_55 = arith.index_cast %add3A_54 : i32 to index
      %get3A_56 = tpu.vector_load %arg8[%get3A_55] {strides = array<i32>} : memref<8192xi32, #tpu.memory_space<vmem>>, vector<16xi32>,
      %broadcast_in_dim3A_57 = arith.constant true
      %broadcast_in_dim3A_58 = vector.broadcast %broadcast_in_dim3A_57 : i1 to vector<16xi1>
      %masked_cumsum3A_59 = tpu.scan <sum>, %get3A_56 masked %broadcast_in_dim3A_58 : vector<16xi32>, vector<16xi1> -> vector<16xi32>
      %sub3A_60 = arith.constant 1 : i32
      %sub3A_61 = arith.subi %scan3A_30, %sub3A_60 : i32
      %add3A_62 = vector.broadcast %sub3A_61 : i32 to vector<16xi32>
      %add3A_63 = arith.addi %masked_cumsum3A_59, %add3A_62 : vector<16xi32>
      %max3A_64 = arith.constant 0 : i32
      %max3A_65 = vector.broadcast %max3A_64 : i32 to vector<16xi32>
      %max3A_66 = arith.maxsi %add3A_63, %max3A_65 : vector<16xi32>
      %add3A_67 = arith.constant 4096 : i32
      %add3A_68 = vector.broadcast %add3A_67 : i32 to vector<16xi32>
      %add3A_69 = arith.addi %max3A_66, %add3A_68 : vector<16xi32>
      %gather3A_70 = tpu.vector_load_idx %arg7[%add3A_69] : memref<8192xf32, #tpu.memory_space<vmem>>[vector<16xi32>], vector<16xf32>,
      %convert_element_type3A_71 = arith.sitofp %get3A_56 : vector<16xi32> to vector<16xf32>
      %mul3A_72 = arith.mulf %gather3A_70, %convert_element_type3A_71 : vector<16xf32>
      %swap3A_73 = arith.index_cast %add3A_54 : i32 to index
      %swap3A_74 = tpu.vector_load %arg9[%swap3A_73] {strides = array<i32>} : memref<8192xf32, #tpu.memory_space<vmem>>, vector<16xf32>,
      tpu.vector_store %arg9[%swap3A_73], %mul3A_72 {strides = array<i32>} : memref<8192xf32, #tpu.memory_space<vmem>>, vector<16xf32>,
      %reduce_sum3A_75 = arith.constant true
      %reduce_sum3A_76 = vector.broadcast %reduce_sum3A_75 : i1 to vector<16xi1>
      %reduce_sum3A_77 = tpu.scan <sum>, %get3A_56 masked %reduce_sum3A_76 : vector<16xi32>, vector<16xi1> -> vector<16xi32>
      %reduce_sum3A_78 = vector.extract %reduce_sum3A_77[15] : i32 from vector<16xi32>
      %add3A_79 = arith.addi %scan3A_30, %reduce_sum3A_78 : i32
      scf.yield %add3A_50, %add3A_79 : i32, i32
    }
    %scan3A_17 = arith.constant 256 : i32
    %scan3A_18 = arith.constant 0 : i32
    %scan3A_19 = arith.constant 0 : i32
    %scan3A_20 = arith.constant 64 : i32
    %scan3A_21 = arith.addi %scan3A_19, %scan3A_20 : i32
    %scan3A_22 = arith.constant 1 : i32
    scf.for %scan3A_28 = %scan3A_19 to %scan3A_21 step %scan3A_22  : i32 {
      %mul3A_29 = arith.constant 16 : i32
      %mul3A_30 = arith.muli %scan3A_28, %mul3A_29 : i32
      %broadcast_in_dim3A = arith.constant 0.000000e+00 : f32
      %broadcast_in_dim3A_31 = vector.broadcast %broadcast_in_dim3A : f32 to vector<16xf32>
      %add3A_32 = arith.constant 0 : i32
      %add3A_33 = arith.addi %add3A_32, %mul3A_30 : i32
      %get3A = arith.index_cast %add3A_33 : i32 to index
      %get3A_34 = tpu.vector_load %arg10[%get3A] {strides = array<i32>} : memref<4096xi32, #tpu.memory_space<vmem>>, vector<16xi32>,
      %add3A_35 = arith.constant 0 : i32
      %add3A_36 = arith.addi %add3A_35, %mul3A_30 : i32
      %get3A_37 = arith.index_cast %add3A_36 : i32 to index
      %get3A_38 = tpu.vector_load %arg11[%get3A_37] {strides = array<i32>} : memref<4096xf32, #tpu.memory_space<vmem>>, vector<16xf32>,
      %add3A_39 = arith.constant 0 : i32
      %add3A_40 = vector.broadcast %add3A_39 : i32 to vector<16xi32>
      %add3A_41 = arith.addi %get3A_34, %add3A_40 : vector<16xi32>
      %gather3A = tpu.vector_load_idx %arg9[%add3A_41] : memref<8192xf32, #tpu.memory_space<vmem>>[vector<16xi32>], vector<16xf32>,
      %mul3A_42 = arith.mulf %gather3A, %get3A_38 : vector<16xf32>
      %add3A_43 = arith.addf %broadcast_in_dim3A_31, %mul3A_42 : vector<16xf32>
      %add3A_44 = arith.constant 1024 : i32
      %add3A_45 = arith.addi %add3A_44, %mul3A_30 : i32
      %get3A_46 = arith.index_cast %add3A_45 : i32 to index
      %get3A_47 = tpu.vector_load %arg10[%get3A_46] {strides = array<i32>} : memref<4096xi32, #tpu.memory_space<vmem>>, vector<16xi32>,
      %add3A_48 = arith.constant 1024 : i32
      %add3A_49 = arith.addi %add3A_48, %mul3A_30 : i32
      %get3A_50 = arith.index_cast %add3A_49 : i32 to index
      %get3A_51 = tpu.vector_load %arg11[%get3A_50] {strides = array<i32>} : memref<4096xf32, #tpu.memory_space<vmem>>, vector<16xf32>,
      %add3A_52 = arith.constant 0 : i32
      %add3A_53 = vector.broadcast %add3A_52 : i32 to vector<16xi32>
      %add3A_54 = arith.addi %get3A_47, %add3A_53 : vector<16xi32>
      %gather3A_55 = tpu.vector_load_idx %arg9[%add3A_54] : memref<8192xf32, #tpu.memory_space<vmem>>[vector<16xi32>], vector<16xf32>,
      %mul3A_56 = arith.mulf %gather3A_55, %get3A_51 : vector<16xf32>
      %add3A_57 = arith.addf %add3A_43, %mul3A_56 : vector<16xf32>
      %add3A_58 = arith.constant 2048 : i32
      %add3A_59 = arith.addi %add3A_58, %mul3A_30 : i32
      %get3A_60 = arith.index_cast %add3A_59 : i32 to index
      %get3A_61 = tpu.vector_load %arg10[%get3A_60] {strides = array<i32>} : memref<4096xi32, #tpu.memory_space<vmem>>, vector<16xi32>,
      %add3A_62 = arith.constant 2048 : i32
      %add3A_63 = arith.addi %add3A_62, %mul3A_30 : i32
      %get3A_64 = arith.index_cast %add3A_63 : i32 to index
      %get3A_65 = tpu.vector_load %arg11[%get3A_64] {strides = array<i32>} : memref<4096xf32, #tpu.memory_space<vmem>>, vector<16xf32>,
      %add3A_66 = arith.constant 0 : i32
      %add3A_67 = vector.broadcast %add3A_66 : i32 to vector<16xi32>
      %add3A_68 = arith.addi %get3A_61, %add3A_67 : vector<16xi32>
      %gather3A_69 = tpu.vector_load_idx %arg9[%add3A_68] : memref<8192xf32, #tpu.memory_space<vmem>>[vector<16xi32>], vector<16xf32>,
      %mul3A_70 = arith.mulf %gather3A_69, %get3A_65 : vector<16xf32>
      %add3A_71 = arith.addf %add3A_57, %mul3A_70 : vector<16xf32>
      %add3A_72 = arith.constant 3072 : i32
      %add3A_73 = arith.addi %add3A_72, %mul3A_30 : i32
      %get3A_74 = arith.index_cast %add3A_73 : i32 to index
      %get3A_75 = tpu.vector_load %arg10[%get3A_74] {strides = array<i32>} : memref<4096xi32, #tpu.memory_space<vmem>>, vector<16xi32>,
      %add3A_76 = arith.constant 3072 : i32
      %add3A_77 = arith.addi %add3A_76, %mul3A_30 : i32
      %get3A_78 = arith.index_cast %add3A_77 : i32 to index
      %get3A_79 = tpu.vector_load %arg11[%get3A_78] {strides = array<i32>} : memref<4096xf32, #tpu.memory_space<vmem>>, vector<16xf32>,
      %add3A_80 = arith.constant 0 : i32
      %add3A_81 = vector.broadcast %add3A_80 : i32 to vector<16xi32>
      %add3A_82 = arith.addi %get3A_75, %add3A_81 : vector<16xi32>
      %gather3A_83 = tpu.vector_load_idx %arg9[%add3A_82] : memref<8192xf32, #tpu.memory_space<vmem>>[vector<16xi32>], vector<16xf32>,
      %mul3A_84 = arith.mulf %gather3A_83, %get3A_79 : vector<16xf32>
      %add3A_85 = arith.addf %add3A_71, %mul3A_84 : vector<16xf32>
      %add3A_86 = arith.constant 0 : i32
      %add3A_87 = arith.addi %add3A_86, %mul3A_30 : i32
      %swap3A = arith.index_cast %add3A_87 : i32 to index
      %swap3A_88 = tpu.vector_load %arg12[%swap3A] {strides = array<i32>} : memref<2048xf32, #tpu.memory_space<vmem>>, vector<16xf32>,
      tpu.vector_store %arg12[%swap3A], %add3A_85 {strides = array<i32>} : memref<2048xf32, #tpu.memory_space<vmem>>, vector<16xf32>,
      %broadcast_in_dim3A_89 = arith.constant 0.000000e+00 : f32
      %broadcast_in_dim3A_90 = vector.broadcast %broadcast_in_dim3A_89 : f32 to vector<16xf32>
      %add3A_91 = arith.constant 0 : i32
      %add3A_92 = arith.addi %add3A_91, %mul3A_30 : i32
      %get3A_93 = arith.index_cast %add3A_92 : i32 to index
      %get3A_94 = tpu.vector_load %arg10[%get3A_93] {strides = array<i32>} : memref<4096xi32, #tpu.memory_space<vmem>>, vector<16xi32>,
      %add3A_95 = arith.constant 0 : i32
      %add3A_96 = arith.addi %add3A_95, %mul3A_30 : i32
      %get3A_97 = arith.index_cast %add3A_96 : i32 to index
      %get3A_98 = tpu.vector_load %arg11[%get3A_97] {strides = array<i32>} : memref<4096xf32, #tpu.memory_space<vmem>>, vector<16xf32>,
      %add3A_99 = arith.constant 4096 : i32
      %add3A_100 = vector.broadcast %add3A_99 : i32 to vector<16xi32>
      %add3A_101 = arith.addi %get3A_94, %add3A_100 : vector<16xi32>
      %gather3A_102 = tpu.vector_load_idx %arg9[%add3A_101] : memref<8192xf32, #tpu.memory_space<vmem>>[vector<16xi32>], vector<16xf32>,
      %mul3A_103 = arith.mulf %gather3A_102, %get3A_98 : vector<16xf32>
      %add3A_104 = arith.addf %broadcast_in_dim3A_90, %mul3A_103 : vector<16xf32>
      %add3A_105 = arith.constant 1024 : i32
      %add3A_106 = arith.addi %add3A_105, %mul3A_30 : i32
      %get3A_107 = arith.index_cast %add3A_106 : i32 to index
      %get3A_108 = tpu.vector_load %arg10[%get3A_107] {strides = array<i32>} : memref<4096xi32, #tpu.memory_space<vmem>>, vector<16xi32>,
      %add3A_109 = arith.constant 1024 : i32
      %add3A_110 = arith.addi %add3A_109, %mul3A_30 : i32
      %get3A_111 = arith.index_cast %add3A_110 : i32 to index
      %get3A_112 = tpu.vector_load %arg11[%get3A_111] {strides = array<i32>} : memref<4096xf32, #tpu.memory_space<vmem>>, vector<16xf32>,
      %add3A_113 = arith.constant 4096 : i32
      %add3A_114 = vector.broadcast %add3A_113 : i32 to vector<16xi32>
      %add3A_115 = arith.addi %get3A_108, %add3A_114 : vector<16xi32>
      %gather3A_116 = tpu.vector_load_idx %arg9[%add3A_115] : memref<8192xf32, #tpu.memory_space<vmem>>[vector<16xi32>], vector<16xf32>,
      %mul3A_117 = arith.mulf %gather3A_116, %get3A_112 : vector<16xf32>
      %add3A_118 = arith.addf %add3A_104, %mul3A_117 : vector<16xf32>
      %add3A_119 = arith.constant 2048 : i32
      %add3A_120 = arith.addi %add3A_119, %mul3A_30 : i32
      %get3A_121 = arith.index_cast %add3A_120 : i32 to index
      %get3A_122 = tpu.vector_load %arg10[%get3A_121] {strides = array<i32>} : memref<4096xi32, #tpu.memory_space<vmem>>, vector<16xi32>,
      %add3A_123 = arith.constant 2048 : i32
      %add3A_124 = arith.addi %add3A_123, %mul3A_30 : i32
      %get3A_125 = arith.index_cast %add3A_124 : i32 to index
      %get3A_126 = tpu.vector_load %arg11[%get3A_125] {strides = array<i32>} : memref<4096xf32, #tpu.memory_space<vmem>>, vector<16xf32>,
      %add3A_127 = arith.constant 4096 : i32
      %add3A_128 = vector.broadcast %add3A_127 : i32 to vector<16xi32>
      %add3A_129 = arith.addi %get3A_122, %add3A_128 : vector<16xi32>
      %gather3A_130 = tpu.vector_load_idx %arg9[%add3A_129] : memref<8192xf32, #tpu.memory_space<vmem>>[vector<16xi32>], vector<16xf32>,
      %mul3A_131 = arith.mulf %gather3A_130, %get3A_126 : vector<16xf32>
      %add3A_132 = arith.addf %add3A_118, %mul3A_131 : vector<16xf32>
      %add3A_133 = arith.constant 3072 : i32
      %add3A_134 = arith.addi %add3A_133, %mul3A_30 : i32
      %get3A_135 = arith.index_cast %add3A_134 : i32 to index
      %get3A_136 = tpu.vector_load %arg10[%get3A_135] {strides = array<i32>} : memref<4096xi32, #tpu.memory_space<vmem>>, vector<16xi32>,
      %add3A_137 = arith.constant 3072 : i32
      %add3A_138 = arith.addi %add3A_137, %mul3A_30 : i32
      %get3A_139 = arith.index_cast %add3A_138 : i32 to index
      %get3A_140 = tpu.vector_load %arg11[%get3A_139] {strides = array<i32>} : memref<4096xf32, #tpu.memory_space<vmem>>, vector<16xf32>,
      %add3A_141 = arith.constant 4096 : i32
      %add3A_142 = vector.broadcast %add3A_141 : i32 to vector<16xi32>
      %add3A_143 = arith.addi %get3A_136, %add3A_142 : vector<16xi32>
      %gather3A_144 = tpu.vector_load_idx %arg9[%add3A_143] : memref<8192xf32, #tpu.memory_space<vmem>>[vector<16xi32>], vector<16xf32>,
      %mul3A_145 = arith.mulf %gather3A_144, %get3A_140 : vector<16xf32>
      %add3A_146 = arith.addf %add3A_132, %mul3A_145 : vector<16xf32>
      %add3A_147 = arith.constant 1024 : i32
      %add3A_148 = arith.addi %add3A_147, %mul3A_30 : i32
      %swap3A_149 = arith.index_cast %add3A_148 : i32 to index
      %swap3A_150 = tpu.vector_load %arg12[%swap3A_149] {strides = array<i32>} : memref<2048xf32, #tpu.memory_space<vmem>>, vector<16xf32>,
      tpu.vector_store %arg12[%swap3A_149], %add3A_146 {strides = array<i32>} : memref<2048xf32, #tpu.memory_space<vmem>>, vector<16xf32>,
    }
    %scan3A_23 = arith.constant 64 : i32
    %add3A_24 = arith.constant 0 : i32
    %add3A_25 = arith.addi %mul3A_2, %add3A_24 : i32
    "tpu.region"() ({
      %run_scoped3A = tpu.sem_alloc : memref<!tpu.dma_semaphore, #tpu.memory_space<semaphore_mem>>
      %dma_start3A = arith.constant 0 : i32
      %dma_start3A_28 = tpu.memref_slice %arg12[%dma_start3A] : memref<2048xf32, #tpu.memory_space<vmem>> -> memref<1024xf32, #tpu.memory_space<vmem>>
      %dma_start3A_29 = arith.constant 0 : i32
      %dma_start3A_30 = tpu.memref_slice %arg6[%add3A_25, %dma_start3A_29] : memref<64x1024xf32, #tpu.memory_space<hbm>> -> memref<1x1024xf32, #tpu.memory_space<hbm>>
      %dma_start3A_31 = tpu.memref_squeeze %dma_start3A_30 : memref<1x1024xf32, #tpu.memory_space<hbm>> -> memref<1024xf32, #tpu.memory_space<hbm>>
      %dma_start3A_32 = arith.constant 0 : i32
      %dma_start3A_33 = tpu.memref_slice %arg6[%add3A_25, %dma_start3A_32] : memref<64x1024xf32, #tpu.memory_space<hbm>> -> memref<1x1024xf32, #tpu.memory_space<hbm>>
      %dma_start3A_34 = tpu.memref_squeeze %dma_start3A_33 : memref<1x1024xf32, #tpu.memory_space<hbm>> -> memref<1024xf32, #tpu.memory_space<hbm>>
      %dma_start3A_35 = arith.constant 0 : i32
      %dma_start3A_36 = tpu.memref_slice %arg12[%dma_start3A_35] : memref<2048xf32, #tpu.memory_space<vmem>> -> memref<1024xf32, #tpu.memory_space<vmem>>
      tpu.enqueue_dma source(%dma_start3A_36 : memref<1024xf32, #tpu.memory_space<vmem>>) target(%dma_start3A_34 : memref<1024xf32, #tpu.memory_space<hbm>>) target_semaphore(%run_scoped3A : memref<!tpu.dma_semaphore, #tpu.memory_space<semaphore_mem>>)
      %dma_wait3A = arith.constant 0 : i32
      %dma_wait3A_37 = tpu.memref_slice %arg12[%dma_wait3A] : memref<2048xf32, #tpu.memory_space<vmem>> -> memref<1024xf32, #tpu.memory_space<vmem>>
      %dma_wait3A_38 = arith.constant 0 : i32
      %dma_wait3A_39 = tpu.memref_slice %arg6[%add3A_25, %dma_wait3A_38] : memref<64x1024xf32, #tpu.memory_space<hbm>> -> memref<1x1024xf32, #tpu.memory_space<hbm>>
      %dma_wait3A_40 = tpu.memref_squeeze %dma_wait3A_39 : memref<1x1024xf32, #tpu.memory_space<hbm>> -> memref<1024xf32, #tpu.memory_space<hbm>>
      %dma_wait3A_41 = arith.constant 0 : i32
      %dma_wait3A_42 = tpu.memref_slice %arg6[%add3A_25, %dma_wait3A_41] : memref<64x1024xf32, #tpu.memory_space<hbm>> -> memref<1x1024xf32, #tpu.memory_space<hbm>>
      %dma_wait3A_43 = tpu.memref_squeeze %dma_wait3A_42 : memref<1x1024xf32, #tpu.memory_space<hbm>> -> memref<1024xf32, #tpu.memory_space<hbm>>
      %dma_wait3A_44 = arith.constant 0 : i32
      %dma_wait3A_45 = tpu.memref_slice %arg12[%dma_wait3A_44] : memref<2048xf32, #tpu.memory_space<vmem>> -> memref<1024xf32, #tpu.memory_space<vmem>>
      tpu.wait_dma2 semaphore(%run_scoped3A : memref<!tpu.dma_semaphore, #tpu.memory_space<semaphore_mem>>) src(%dma_wait3A_45 : memref<1024xf32, #tpu.memory_space<vmem>>) dst(%dma_wait3A_43 : memref<1024xf32, #tpu.memory_space<hbm>>)
      tpu.yield
    }) : () -> ()
    %add3A_26 = arith.constant 1 : i32
    %add3A_27 = arith.addi %mul3A_2, %add3A_26 : i32
    "tpu.region"() ({
      %run_scoped3A = tpu.sem_alloc : memref<!tpu.dma_semaphore, #tpu.memory_space<semaphore_mem>>
      %dma_start3A = arith.constant 1024 : i32
      %dma_start3A_28 = tpu.memref_slice %arg12[%dma_start3A] : memref<2048xf32, #tpu.memory_space<vmem>> -> memref<1024xf32, #tpu.memory_space<vmem>>
      %dma_start3A_29 = arith.constant 0 : i32
      %dma_start3A_30 = tpu.memref_slice %arg6[%add3A_27, %dma_start3A_29] : memref<64x1024xf32, #tpu.memory_space<hbm>> -> memref<1x1024xf32, #tpu.memory_space<hbm>>
      %dma_start3A_31 = tpu.memref_squeeze %dma_start3A_30 : memref<1x1024xf32, #tpu.memory_space<hbm>> -> memref<1024xf32, #tpu.memory_space<hbm>>
      %dma_start3A_32 = arith.constant 0 : i32
      %dma_start3A_33 = tpu.memref_slice %arg6[%add3A_27, %dma_start3A_32] : memref<64x1024xf32, #tpu.memory_space<hbm>> -> memref<1x1024xf32, #tpu.memory_space<hbm>>
      %dma_start3A_34 = tpu.memref_squeeze %dma_start3A_33 : memref<1x1024xf32, #tpu.memory_space<hbm>> -> memref<1024xf32, #tpu.memory_space<hbm>>
      %dma_start3A_35 = arith.constant 1024 : i32
      %dma_start3A_36 = tpu.memref_slice %arg12[%dma_start3A_35] : memref<2048xf32, #tpu.memory_space<vmem>> -> memref<1024xf32, #tpu.memory_space<vmem>>
      tpu.enqueue_dma source(%dma_start3A_36 : memref<1024xf32, #tpu.memory_space<vmem>>) target(%dma_start3A_34 : memref<1024xf32, #tpu.memory_space<hbm>>) target_semaphore(%run_scoped3A : memref<!tpu.dma_semaphore, #tpu.memory_space<semaphore_mem>>)
      %dma_wait3A = arith.constant 1024 : i32
      %dma_wait3A_37 = tpu.memref_slice %arg12[%dma_wait3A] : memref<2048xf32, #tpu.memory_space<vmem>> -> memref<1024xf32, #tpu.memory_space<vmem>>
      %dma_wait3A_38 = arith.constant 0 : i32
      %dma_wait3A_39 = tpu.memref_slice %arg6[%add3A_27, %dma_wait3A_38] : memref<64x1024xf32, #tpu.memory_space<hbm>> -> memref<1x1024xf32, #tpu.memory_space<hbm>>
      %dma_wait3A_40 = tpu.memref_squeeze %dma_wait3A_39 : memref<1x1024xf32, #tpu.memory_space<hbm>> -> memref<1024xf32, #tpu.memory_space<hbm>>
      %dma_wait3A_41 = arith.constant 0 : i32
      %dma_wait3A_42 = tpu.memref_slice %arg6[%add3A_27, %dma_wait3A_41] : memref<64x1024xf32, #tpu.memory_space<hbm>> -> memref<1x1024xf32, #tpu.memory_space<hbm>>
      %dma_wait3A_43 = tpu.memref_squeeze %dma_wait3A_42 : memref<1x1024xf32, #tpu.memory_space<hbm>> -> memref<1024xf32, #tpu.memory_space<hbm>>
      %dma_wait3A_44 = arith.constant 1024 : i32
      %dma_wait3A_45 = tpu.memref_slice %arg12[%dma_wait3A_44] : memref<2048xf32, #tpu.memory_space<vmem>> -> memref<1024xf32, #tpu.memory_space<vmem>>
      tpu.wait_dma2 semaphore(%run_scoped3A : memref<!tpu.dma_semaphore, #tpu.memory_space<semaphore_mem>>) src(%dma_wait3A_45 : memref<1024xf32, #tpu.memory_space<vmem>>) dst(%dma_wait3A_43 : memref<1024xf32, #tpu.memory_space<hbm>>)
      tpu.yield
    }) : () -> ()
    return
  }
}

module attributes {stable_mosaic.version = 14 : i64} {
  func.func @_proj_body(%arg0: i32, %arg1: memref<16x32x4352xf32, #tpu.memory_space<vmem>>, %arg2: memref<1x32xf32, #tpu.memory_space<vmem>>, %arg3: memref<1x32xf32, #tpu.memory_space<vmem>>, %arg4: memref<1xf32, #tpu.memory_space<smem>>, %arg5: memref<1xf32, #tpu.memory_space<smem>>, %arg6: memref<16x256xf32, #tpu.memory_space<vmem>>, %arg7: memref<16x4096xf32, #tpu.memory_space<vmem>>) attributes {dimension_semantics = [#tpu.dimension_semantics<arbitrary>], iteration_bounds = array<i64: 4>, scalar_prefetch = 0 : i64, scratch_operands = 0 : i64, tpu.core_type = #tpu.core_type<tc>, window_params = [{transform_indices = @transform_0, window_bounds = array<i64: 16, 32, 4352>}, {pipeline_mode = #tpu.pipeline_mode<synchronous>, transform_indices = @transform_1, window_bounds = array<i64: 1, 32>}, {pipeline_mode = #tpu.pipeline_mode<synchronous>, transform_indices = @transform_2, window_bounds = array<i64: 1, 32>}, {transform_indices = @transform_3, window_bounds = array<i64: 1>}, {transform_indices = @transform_4, window_bounds = array<i64: 1>}, {transform_indices = @transform_5, window_bounds = array<i64: 16, 256>}, {transform_indices = @transform_6, window_bounds = array<i64: 16, 4096>}]} {
    %get3A = arith.constant 0 : index
    %get3A_0 = arith.constant 0 : index
    %get3A_1 = arith.constant 0 : index
    %get3A_2 = vector.load %arg1[%get3A, %get3A_0, %get3A_1] : memref<16x32x4352xf32, #tpu.memory_space<vmem>>, vector<1x32x4352xf32>
    %get3A_3 = vector.shape_cast %get3A_2 : vector<1x32x4352xf32> to vector<32x4352xf32>
    %get3A_4 = arith.constant 0 : index
    %get3A_5 = arith.constant 0 : index
    %get3A_6 = vector.load %arg2[%get3A_4, %get3A_5] : memref<1x32xf32, #tpu.memory_space<vmem>>, vector<1x32xf32>
    %slice3A = vector.extract_strided_slice %get3A_3 {offsets = [0, 0], sizes = [32, 256], strides = [1, 1]} : vector<32x4352xf32> to vector<32x256xf32>
    %dot_general3A = arith.constant dense<0.000000e+00> : vector<1x256xf32>
    %dot_general3A_7 = tpu.matmul %get3A_6, %slice3A, %dot_general3A {dimension_numbers = #tpu.dot_dimension_numbers<[1], [0], [0], [1], [0, 0, 1, 1], [], []>, transpose_lhs_hint = false} : vector<1x32xf32>, vector<32x256xf32>, vector<1x256xf32> -> vector<1x256xf32>
    %get3A_8 = arith.constant 0 : index
    %get3A_9 = arith.constant 0 : index
    %get3A_10 = vector.load %arg3[%get3A_8, %get3A_9] : memref<1x32xf32, #tpu.memory_space<vmem>>, vector<1x32xf32>
    %slice3A_11 = vector.extract_strided_slice %get3A_3 {offsets = [0, 256], sizes = [32, 4096], strides = [1, 1]} : vector<32x4352xf32> to vector<32x4096xf32>
    %dot_general3A_12 = arith.constant dense<0.000000e+00> : vector<1x4096xf32>
    %dot_general3A_13 = tpu.matmul %get3A_10, %slice3A_11, %dot_general3A_12 {dimension_numbers = #tpu.dot_dimension_numbers<[1], [0], [0], [1], [0, 0, 1, 1], [], []>, transpose_lhs_hint = false} : vector<1x32xf32>, vector<32x4096xf32>, vector<1x4096xf32> -> vector<1x4096xf32>
    %squeeze3A = vector.shape_cast %dot_general3A_7 : vector<1x256xf32> to vector<256xf32>
    %get3A_14 = arith.constant 0 : index
    %get3A_15 = memref.load %arg4[%get3A_14] : memref<1xf32, #tpu.memory_space<smem>>
    %add3A = vector.broadcast %get3A_15 : f32 to vector<256xf32>
    %add3A_16 = arith.addf %squeeze3A, %add3A : vector<256xf32>
    %swap3A = arith.constant 0 : index
    %swap3A_17 = arith.constant 0 : index
    %swap3A_18 = vector.load %arg6[%swap3A, %swap3A_17] : memref<16x256xf32, #tpu.memory_space<vmem>>, vector<1x256xf32>
    %swap3A_19 = vector.shape_cast %swap3A_18 : vector<1x256xf32> to vector<256xf32>
    %swap3A_20 = vector.shape_cast %add3A_16 : vector<256xf32> to vector<1x256xf32>
    tpu.vector_store %arg6[%swap3A, %swap3A_17], %swap3A_20 {strides = array<i32>} : memref<16x256xf32, #tpu.memory_space<vmem>>, vector<1x256xf32>,
    %squeeze3A_21 = vector.shape_cast %dot_general3A_13 : vector<1x4096xf32> to vector<4096xf32>
    %get3A_22 = arith.constant 0 : index
    %get3A_23 = memref.load %arg5[%get3A_22] : memref<1xf32, #tpu.memory_space<smem>>
    %add3A_24 = vector.broadcast %get3A_23 : f32 to vector<4096xf32>
    %add3A_25 = arith.addf %squeeze3A_21, %add3A_24 : vector<4096xf32>
    %swap3A_26 = arith.constant 0 : index
    %swap3A_27 = arith.constant 0 : index
    %swap3A_28 = vector.load %arg7[%swap3A_26, %swap3A_27] : memref<16x4096xf32, #tpu.memory_space<vmem>>, vector<1x4096xf32>
    %swap3A_29 = vector.shape_cast %swap3A_28 : vector<1x4096xf32> to vector<4096xf32>
    %swap3A_30 = vector.shape_cast %add3A_25 : vector<4096xf32> to vector<1x4096xf32>
    tpu.vector_store %arg7[%swap3A_26, %swap3A_27], %swap3A_30 {strides = array<i32>} : memref<16x4096xf32, #tpu.memory_space<vmem>>, vector<1x4096xf32>,
    %get3A_31 = arith.constant 1 : index
    %get3A_32 = arith.constant 0 : index
    %get3A_33 = arith.constant 0 : index
    %get3A_34 = vector.load %arg1[%get3A_31, %get3A_32, %get3A_33] : memref<16x32x4352xf32, #tpu.memory_space<vmem>>, vector<1x32x4352xf32>
    %get3A_35 = vector.shape_cast %get3A_34 : vector<1x32x4352xf32> to vector<32x4352xf32>
    %get3A_36 = arith.constant 0 : index
    %get3A_37 = arith.constant 0 : index
    %get3A_38 = vector.load %arg2[%get3A_36, %get3A_37] : memref<1x32xf32, #tpu.memory_space<vmem>>, vector<1x32xf32>
    %slice3A_39 = vector.extract_strided_slice %get3A_35 {offsets = [0, 0], sizes = [32, 256], strides = [1, 1]} : vector<32x4352xf32> to vector<32x256xf32>
    %dot_general3A_40 = arith.constant dense<0.000000e+00> : vector<1x256xf32>
    %dot_general3A_41 = tpu.matmul %get3A_38, %slice3A_39, %dot_general3A_40 {dimension_numbers = #tpu.dot_dimension_numbers<[1], [0], [0], [1], [0, 0, 1, 1], [], []>, transpose_lhs_hint = false} : vector<1x32xf32>, vector<32x256xf32>, vector<1x256xf32> -> vector<1x256xf32>
    %get3A_42 = arith.constant 0 : index
    %get3A_43 = arith.constant 0 : index
    %get3A_44 = vector.load %arg3[%get3A_42, %get3A_43] : memref<1x32xf32, #tpu.memory_space<vmem>>, vector<1x32xf32>
    %slice3A_45 = vector.extract_strided_slice %get3A_35 {offsets = [0, 256], sizes = [32, 4096], strides = [1, 1]} : vector<32x4352xf32> to vector<32x4096xf32>
    %dot_general3A_46 = arith.constant dense<0.000000e+00> : vector<1x4096xf32>
    %dot_general3A_47 = tpu.matmul %get3A_44, %slice3A_45, %dot_general3A_46 {dimension_numbers = #tpu.dot_dimension_numbers<[1], [0], [0], [1], [0, 0, 1, 1], [], []>, transpose_lhs_hint = false} : vector<1x32xf32>, vector<32x4096xf32>, vector<1x4096xf32> -> vector<1x4096xf32>
    %squeeze3A_48 = vector.shape_cast %dot_general3A_41 : vector<1x256xf32> to vector<256xf32>
    %get3A_49 = arith.constant 0 : index
    %get3A_50 = memref.load %arg4[%get3A_49] : memref<1xf32, #tpu.memory_space<smem>>
    %add3A_51 = vector.broadcast %get3A_50 : f32 to vector<256xf32>
    %add3A_52 = arith.addf %squeeze3A_48, %add3A_51 : vector<256xf32>
    %swap3A_53 = arith.constant 1 : index
    %swap3A_54 = arith.constant 0 : index
    %swap3A_55 = vector.load %arg6[%swap3A_53, %swap3A_54] : memref<16x256xf32, #tpu.memory_space<vmem>>, vector<1x256xf32>
    %swap3A_56 = vector.shape_cast %swap3A_55 : vector<1x256xf32> to vector<256xf32>
    %swap3A_57 = vector.shape_cast %add3A_52 : vector<256xf32> to vector<1x256xf32>
    tpu.vector_store %arg6[%swap3A_53, %swap3A_54], %swap3A_57 {strides = array<i32>} : memref<16x256xf32, #tpu.memory_space<vmem>>, vector<1x256xf32>,
    %squeeze3A_58 = vector.shape_cast %dot_general3A_47 : vector<1x4096xf32> to vector<4096xf32>
    %get3A_59 = arith.constant 0 : index
    %get3A_60 = memref.load %arg5[%get3A_59] : memref<1xf32, #tpu.memory_space<smem>>
    %add3A_61 = vector.broadcast %get3A_60 : f32 to vector<4096xf32>
    %add3A_62 = arith.addf %squeeze3A_58, %add3A_61 : vector<4096xf32>
    %swap3A_63 = arith.constant 1 : index
    %swap3A_64 = arith.constant 0 : index
    %swap3A_65 = vector.load %arg7[%swap3A_63, %swap3A_64] : memref<16x4096xf32, #tpu.memory_space<vmem>>, vector<1x4096xf32>
    %swap3A_66 = vector.shape_cast %swap3A_65 : vector<1x4096xf32> to vector<4096xf32>
    %swap3A_67 = vector.shape_cast %add3A_62 : vector<4096xf32> to vector<1x4096xf32>
    tpu.vector_store %arg7[%swap3A_63, %swap3A_64], %swap3A_67 {strides = array<i32>} : memref<16x4096xf32, #tpu.memory_space<vmem>>, vector<1x4096xf32>,
    %get3A_68 = arith.constant 2 : index
    %get3A_69 = arith.constant 0 : index
    %get3A_70 = arith.constant 0 : index
    %get3A_71 = vector.load %arg1[%get3A_68, %get3A_69, %get3A_70] : memref<16x32x4352xf32, #tpu.memory_space<vmem>>, vector<1x32x4352xf32>
    %get3A_72 = vector.shape_cast %get3A_71 : vector<1x32x4352xf32> to vector<32x4352xf32>
    %get3A_73 = arith.constant 0 : index
    %get3A_74 = arith.constant 0 : index
    %get3A_75 = vector.load %arg2[%get3A_73, %get3A_74] : memref<1x32xf32, #tpu.memory_space<vmem>>, vector<1x32xf32>
    %slice3A_76 = vector.extract_strided_slice %get3A_72 {offsets = [0, 0], sizes = [32, 256], strides = [1, 1]} : vector<32x4352xf32> to vector<32x256xf32>
    %dot_general3A_77 = arith.constant dense<0.000000e+00> : vector<1x256xf32>
    %dot_general3A_78 = tpu.matmul %get3A_75, %slice3A_76, %dot_general3A_77 {dimension_numbers = #tpu.dot_dimension_numbers<[1], [0], [0], [1], [0, 0, 1, 1], [], []>, transpose_lhs_hint = false} : vector<1x32xf32>, vector<32x256xf32>, vector<1x256xf32> -> vector<1x256xf32>
    %get3A_79 = arith.constant 0 : index
    %get3A_80 = arith.constant 0 : index
    %get3A_81 = vector.load %arg3[%get3A_79, %get3A_80] : memref<1x32xf32, #tpu.memory_space<vmem>>, vector<1x32xf32>
    %slice3A_82 = vector.extract_strided_slice %get3A_72 {offsets = [0, 256], sizes = [32, 4096], strides = [1, 1]} : vector<32x4352xf32> to vector<32x4096xf32>
    %dot_general3A_83 = arith.constant dense<0.000000e+00> : vector<1x4096xf32>
    %dot_general3A_84 = tpu.matmul %get3A_81, %slice3A_82, %dot_general3A_83 {dimension_numbers = #tpu.dot_dimension_numbers<[1], [0], [0], [1], [0, 0, 1, 1], [], []>, transpose_lhs_hint = false} : vector<1x32xf32>, vector<32x4096xf32>, vector<1x4096xf32> -> vector<1x4096xf32>
    %squeeze3A_85 = vector.shape_cast %dot_general3A_78 : vector<1x256xf32> to vector<256xf32>
    %get3A_86 = arith.constant 0 : index
    %get3A_87 = memref.load %arg4[%get3A_86] : memref<1xf32, #tpu.memory_space<smem>>
    %add3A_88 = vector.broadcast %get3A_87 : f32 to vector<256xf32>
    %add3A_89 = arith.addf %squeeze3A_85, %add3A_88 : vector<256xf32>
    %swap3A_90 = arith.constant 2 : index
    %swap3A_91 = arith.constant 0 : index
    %swap3A_92 = vector.load %arg6[%swap3A_90, %swap3A_91] : memref<16x256xf32, #tpu.memory_space<vmem>>, vector<1x256xf32>
    %swap3A_93 = vector.shape_cast %swap3A_92 : vector<1x256xf32> to vector<256xf32>
    %swap3A_94 = vector.shape_cast %add3A_89 : vector<256xf32> to vector<1x256xf32>
    tpu.vector_store %arg6[%swap3A_90, %swap3A_91], %swap3A_94 {strides = array<i32>} : memref<16x256xf32, #tpu.memory_space<vmem>>, vector<1x256xf32>,
    %squeeze3A_95 = vector.shape_cast %dot_general3A_84 : vector<1x4096xf32> to vector<4096xf32>
    %get3A_96 = arith.constant 0 : index
    %get3A_97 = memref.load %arg5[%get3A_96] : memref<1xf32, #tpu.memory_space<smem>>
    %add3A_98 = vector.broadcast %get3A_97 : f32 to vector<4096xf32>
    %add3A_99 = arith.addf %squeeze3A_95, %add3A_98 : vector<4096xf32>
    %swap3A_100 = arith.constant 2 : index
    %swap3A_101 = arith.constant 0 : index
    %swap3A_102 = vector.load %arg7[%swap3A_100, %swap3A_101] : memref<16x4096xf32, #tpu.memory_space<vmem>>, vector<1x4096xf32>
    %swap3A_103 = vector.shape_cast %swap3A_102 : vector<1x4096xf32> to vector<4096xf32>
    %swap3A_104 = vector.shape_cast %add3A_99 : vector<4096xf32> to vector<1x4096xf32>
    tpu.vector_store %arg7[%swap3A_100, %swap3A_101], %swap3A_104 {strides = array<i32>} : memref<16x4096xf32, #tpu.memory_space<vmem>>, vector<1x4096xf32>,
    %get3A_105 = arith.constant 3 : index
    %get3A_106 = arith.constant 0 : index
    %get3A_107 = arith.constant 0 : index
    %get3A_108 = vector.load %arg1[%get3A_105, %get3A_106, %get3A_107] : memref<16x32x4352xf32, #tpu.memory_space<vmem>>, vector<1x32x4352xf32>
    %get3A_109 = vector.shape_cast %get3A_108 : vector<1x32x4352xf32> to vector<32x4352xf32>
    %get3A_110 = arith.constant 0 : index
    %get3A_111 = arith.constant 0 : index
    %get3A_112 = vector.load %arg2[%get3A_110, %get3A_111] : memref<1x32xf32, #tpu.memory_space<vmem>>, vector<1x32xf32>
    %slice3A_113 = vector.extract_strided_slice %get3A_109 {offsets = [0, 0], sizes = [32, 256], strides = [1, 1]} : vector<32x4352xf32> to vector<32x256xf32>
    %dot_general3A_114 = arith.constant dense<0.000000e+00> : vector<1x256xf32>
    %dot_general3A_115 = tpu.matmul %get3A_112, %slice3A_113, %dot_general3A_114 {dimension_numbers = #tpu.dot_dimension_numbers<[1], [0], [0], [1], [0, 0, 1, 1], [], []>, transpose_lhs_hint = false} : vector<1x32xf32>, vector<32x256xf32>, vector<1x256xf32> -> vector<1x256xf32>
    %get3A_116 = arith.constant 0 : index
    %get3A_117 = arith.constant 0 : index
    %get3A_118 = vector.load %arg3[%get3A_116, %get3A_117] : memref<1x32xf32, #tpu.memory_space<vmem>>, vector<1x32xf32>
    %slice3A_119 = vector.extract_strided_slice %get3A_109 {offsets = [0, 256], sizes = [32, 4096], strides = [1, 1]} : vector<32x4352xf32> to vector<32x4096xf32>
    %dot_general3A_120 = arith.constant dense<0.000000e+00> : vector<1x4096xf32>
    %dot_general3A_121 = tpu.matmul %get3A_118, %slice3A_119, %dot_general3A_120 {dimension_numbers = #tpu.dot_dimension_numbers<[1], [0], [0], [1], [0, 0, 1, 1], [], []>, transpose_lhs_hint = false} : vector<1x32xf32>, vector<32x4096xf32>, vector<1x4096xf32> -> vector<1x4096xf32>
    %squeeze3A_122 = vector.shape_cast %dot_general3A_115 : vector<1x256xf32> to vector<256xf32>
    %get3A_123 = arith.constant 0 : index
    %get3A_124 = memref.load %arg4[%get3A_123] : memref<1xf32, #tpu.memory_space<smem>>
    %add3A_125 = vector.broadcast %get3A_124 : f32 to vector<256xf32>
    %add3A_126 = arith.addf %squeeze3A_122, %add3A_125 : vector<256xf32>
    %swap3A_127 = arith.constant 3 : index
    %swap3A_128 = arith.constant 0 : index
    %swap3A_129 = vector.load %arg6[%swap3A_127, %swap3A_128] : memref<16x256xf32, #tpu.memory_space<vmem>>, vector<1x256xf32>
    %swap3A_130 = vector.shape_cast %swap3A_129 : vector<1x256xf32> to vector<256xf32>
    %swap3A_131 = vector.shape_cast %add3A_126 : vector<256xf32> to vector<1x256xf32>
    tpu.vector_store %arg6[%swap3A_127, %swap3A_128], %swap3A_131 {strides = array<i32>} : memref<16x256xf32, #tpu.memory_space<vmem>>, vector<1x256xf32>,
    %squeeze3A_132 = vector.shape_cast %dot_general3A_121 : vector<1x4096xf32> to vector<4096xf32>
    %get3A_133 = arith.constant 0 : index
    %get3A_134 = memref.load %arg5[%get3A_133] : memref<1xf32, #tpu.memory_space<smem>>
    %add3A_135 = vector.broadcast %get3A_134 : f32 to vector<4096xf32>
    %add3A_136 = arith.addf %squeeze3A_132, %add3A_135 : vector<4096xf32>
    %swap3A_137 = arith.constant 3 : index
    %swap3A_138 = arith.constant 0 : index
    %swap3A_139 = vector.load %arg7[%swap3A_137, %swap3A_138] : memref<16x4096xf32, #tpu.memory_space<vmem>>, vector<1x4096xf32>
    %swap3A_140 = vector.shape_cast %swap3A_139 : vector<1x4096xf32> to vector<4096xf32>
    %swap3A_141 = vector.shape_cast %add3A_136 : vector<4096xf32> to vector<1x4096xf32>
    tpu.vector_store %arg7[%swap3A_137, %swap3A_138], %swap3A_141 {strides = array<i32>} : memref<16x4096xf32, #tpu.memory_space<vmem>>, vector<1x4096xf32>,
    %get3A_142 = arith.constant 4 : index
    %get3A_143 = arith.constant 0 : index
    %get3A_144 = arith.constant 0 : index
    %get3A_145 = vector.load %arg1[%get3A_142, %get3A_143, %get3A_144] : memref<16x32x4352xf32, #tpu.memory_space<vmem>>, vector<1x32x4352xf32>
    %get3A_146 = vector.shape_cast %get3A_145 : vector<1x32x4352xf32> to vector<32x4352xf32>
    %get3A_147 = arith.constant 0 : index
    %get3A_148 = arith.constant 0 : index
    %get3A_149 = vector.load %arg2[%get3A_147, %get3A_148] : memref<1x32xf32, #tpu.memory_space<vmem>>, vector<1x32xf32>
    %slice3A_150 = vector.extract_strided_slice %get3A_146 {offsets = [0, 0], sizes = [32, 256], strides = [1, 1]} : vector<32x4352xf32> to vector<32x256xf32>
    %dot_general3A_151 = arith.constant dense<0.000000e+00> : vector<1x256xf32>
    %dot_general3A_152 = tpu.matmul %get3A_149, %slice3A_150, %dot_general3A_151 {dimension_numbers = #tpu.dot_dimension_numbers<[1], [0], [0], [1], [0, 0, 1, 1], [], []>, transpose_lhs_hint = false} : vector<1x32xf32>, vector<32x256xf32>, vector<1x256xf32> -> vector<1x256xf32>
    %get3A_153 = arith.constant 0 : index
    %get3A_154 = arith.constant 0 : index
    %get3A_155 = vector.load %arg3[%get3A_153, %get3A_154] : memref<1x32xf32, #tpu.memory_space<vmem>>, vector<1x32xf32>
    %slice3A_156 = vector.extract_strided_slice %get3A_146 {offsets = [0, 256], sizes = [32, 4096], strides = [1, 1]} : vector<32x4352xf32> to vector<32x4096xf32>
    %dot_general3A_157 = arith.constant dense<0.000000e+00> : vector<1x4096xf32>
    %dot_general3A_158 = tpu.matmul %get3A_155, %slice3A_156, %dot_general3A_157 {dimension_numbers = #tpu.dot_dimension_numbers<[1], [0], [0], [1], [0, 0, 1, 1], [], []>, transpose_lhs_hint = false} : vector<1x32xf32>, vector<32x4096xf32>, vector<1x4096xf32> -> vector<1x4096xf32>
    %squeeze3A_159 = vector.shape_cast %dot_general3A_152 : vector<1x256xf32> to vector<256xf32>
    %get3A_160 = arith.constant 0 : index
    %get3A_161 = memref.load %arg4[%get3A_160] : memref<1xf32, #tpu.memory_space<smem>>
    %add3A_162 = vector.broadcast %get3A_161 : f32 to vector<256xf32>
    %add3A_163 = arith.addf %squeeze3A_159, %add3A_162 : vector<256xf32>
    %swap3A_164 = arith.constant 4 : index
    %swap3A_165 = arith.constant 0 : index
    %swap3A_166 = vector.load %arg6[%swap3A_164, %swap3A_165] : memref<16x256xf32, #tpu.memory_space<vmem>>, vector<1x256xf32>
    %swap3A_167 = vector.shape_cast %swap3A_166 : vector<1x256xf32> to vector<256xf32>
    %swap3A_168 = vector.shape_cast %add3A_163 : vector<256xf32> to vector<1x256xf32>
    tpu.vector_store %arg6[%swap3A_164, %swap3A_165], %swap3A_168 {strides = array<i32>} : memref<16x256xf32, #tpu.memory_space<vmem>>, vector<1x256xf32>,
    %squeeze3A_169 = vector.shape_cast %dot_general3A_158 : vector<1x4096xf32> to vector<4096xf32>
    %get3A_170 = arith.constant 0 : index
    %get3A_171 = memref.load %arg5[%get3A_170] : memref<1xf32, #tpu.memory_space<smem>>
    %add3A_172 = vector.broadcast %get3A_171 : f32 to vector<4096xf32>
    %add3A_173 = arith.addf %squeeze3A_169, %add3A_172 : vector<4096xf32>
    %swap3A_174 = arith.constant 4 : index
    %swap3A_175 = arith.constant 0 : index
    %swap3A_176 = vector.load %arg7[%swap3A_174, %swap3A_175] : memref<16x4096xf32, #tpu.memory_space<vmem>>, vector<1x4096xf32>
    %swap3A_177 = vector.shape_cast %swap3A_176 : vector<1x4096xf32> to vector<4096xf32>
    %swap3A_178 = vector.shape_cast %add3A_173 : vector<4096xf32> to vector<1x4096xf32>
    tpu.vector_store %arg7[%swap3A_174, %swap3A_175], %swap3A_178 {strides = array<i32>} : memref<16x4096xf32, #tpu.memory_space<vmem>>, vector<1x4096xf32>,
    %get3A_179 = arith.constant 5 : index
    %get3A_180 = arith.constant 0 : index
    %get3A_181 = arith.constant 0 : index
    %get3A_182 = vector.load %arg1[%get3A_179, %get3A_180, %get3A_181] : memref<16x32x4352xf32, #tpu.memory_space<vmem>>, vector<1x32x4352xf32>
    %get3A_183 = vector.shape_cast %get3A_182 : vector<1x32x4352xf32> to vector<32x4352xf32>
    %get3A_184 = arith.constant 0 : index
    %get3A_185 = arith.constant 0 : index
    %get3A_186 = vector.load %arg2[%get3A_184, %get3A_185] : memref<1x32xf32, #tpu.memory_space<vmem>>, vector<1x32xf32>
    %slice3A_187 = vector.extract_strided_slice %get3A_183 {offsets = [0, 0], sizes = [32, 256], strides = [1, 1]} : vector<32x4352xf32> to vector<32x256xf32>
    %dot_general3A_188 = arith.constant dense<0.000000e+00> : vector<1x256xf32>
    %dot_general3A_189 = tpu.matmul %get3A_186, %slice3A_187, %dot_general3A_188 {dimension_numbers = #tpu.dot_dimension_numbers<[1], [0], [0], [1], [0, 0, 1, 1], [], []>, transpose_lhs_hint = false} : vector<1x32xf32>, vector<32x256xf32>, vector<1x256xf32> -> vector<1x256xf32>
    %get3A_190 = arith.constant 0 : index
    %get3A_191 = arith.constant 0 : index
    %get3A_192 = vector.load %arg3[%get3A_190, %get3A_191] : memref<1x32xf32, #tpu.memory_space<vmem>>, vector<1x32xf32>
    %slice3A_193 = vector.extract_strided_slice %get3A_183 {offsets = [0, 256], sizes = [32, 4096], strides = [1, 1]} : vector<32x4352xf32> to vector<32x4096xf32>
    %dot_general3A_194 = arith.constant dense<0.000000e+00> : vector<1x4096xf32>
    %dot_general3A_195 = tpu.matmul %get3A_192, %slice3A_193, %dot_general3A_194 {dimension_numbers = #tpu.dot_dimension_numbers<[1], [0], [0], [1], [0, 0, 1, 1], [], []>, transpose_lhs_hint = false} : vector<1x32xf32>, vector<32x4096xf32>, vector<1x4096xf32> -> vector<1x4096xf32>
    %squeeze3A_196 = vector.shape_cast %dot_general3A_189 : vector<1x256xf32> to vector<256xf32>
    %get3A_197 = arith.constant 0 : index
    %get3A_198 = memref.load %arg4[%get3A_197] : memref<1xf32, #tpu.memory_space<smem>>
    %add3A_199 = vector.broadcast %get3A_198 : f32 to vector<256xf32>
    %add3A_200 = arith.addf %squeeze3A_196, %add3A_199 : vector<256xf32>
    %swap3A_201 = arith.constant 5 : index
    %swap3A_202 = arith.constant 0 : index
    %swap3A_203 = vector.load %arg6[%swap3A_201, %swap3A_202] : memref<16x256xf32, #tpu.memory_space<vmem>>, vector<1x256xf32>
    %swap3A_204 = vector.shape_cast %swap3A_203 : vector<1x256xf32> to vector<256xf32>
    %swap3A_205 = vector.shape_cast %add3A_200 : vector<256xf32> to vector<1x256xf32>
    tpu.vector_store %arg6[%swap3A_201, %swap3A_202], %swap3A_205 {strides = array<i32>} : memref<16x256xf32, #tpu.memory_space<vmem>>, vector<1x256xf32>,
    %squeeze3A_206 = vector.shape_cast %dot_general3A_195 : vector<1x4096xf32> to vector<4096xf32>
    %get3A_207 = arith.constant 0 : index
    %get3A_208 = memref.load %arg5[%get3A_207] : memref<1xf32, #tpu.memory_space<smem>>
    %add3A_209 = vector.broadcast %get3A_208 : f32 to vector<4096xf32>
    %add3A_210 = arith.addf %squeeze3A_206, %add3A_209 : vector<4096xf32>
    %swap3A_211 = arith.constant 5 : index
    %swap3A_212 = arith.constant 0 : index
    %swap3A_213 = vector.load %arg7[%swap3A_211, %swap3A_212] : memref<16x4096xf32, #tpu.memory_space<vmem>>, vector<1x4096xf32>
    %swap3A_214 = vector.shape_cast %swap3A_213 : vector<1x4096xf32> to vector<4096xf32>
    %swap3A_215 = vector.shape_cast %add3A_210 : vector<4096xf32> to vector<1x4096xf32>
    tpu.vector_store %arg7[%swap3A_211, %swap3A_212], %swap3A_215 {strides = array<i32>} : memref<16x4096xf32, #tpu.memory_space<vmem>>, vector<1x4096xf32>,
    %get3A_216 = arith.constant 6 : index
    %get3A_217 = arith.constant 0 : index
    %get3A_218 = arith.constant 0 : index
    %get3A_219 = vector.load %arg1[%get3A_216, %get3A_217, %get3A_218] : memref<16x32x4352xf32, #tpu.memory_space<vmem>>, vector<1x32x4352xf32>
    %get3A_220 = vector.shape_cast %get3A_219 : vector<1x32x4352xf32> to vector<32x4352xf32>
    %get3A_221 = arith.constant 0 : index
    %get3A_222 = arith.constant 0 : index
    %get3A_223 = vector.load %arg2[%get3A_221, %get3A_222] : memref<1x32xf32, #tpu.memory_space<vmem>>, vector<1x32xf32>
    %slice3A_224 = vector.extract_strided_slice %get3A_220 {offsets = [0, 0], sizes = [32, 256], strides = [1, 1]} : vector<32x4352xf32> to vector<32x256xf32>
    %dot_general3A_225 = arith.constant dense<0.000000e+00> : vector<1x256xf32>
    %dot_general3A_226 = tpu.matmul %get3A_223, %slice3A_224, %dot_general3A_225 {dimension_numbers = #tpu.dot_dimension_numbers<[1], [0], [0], [1], [0, 0, 1, 1], [], []>, transpose_lhs_hint = false} : vector<1x32xf32>, vector<32x256xf32>, vector<1x256xf32> -> vector<1x256xf32>
    %get3A_227 = arith.constant 0 : index
    %get3A_228 = arith.constant 0 : index
    %get3A_229 = vector.load %arg3[%get3A_227, %get3A_228] : memref<1x32xf32, #tpu.memory_space<vmem>>, vector<1x32xf32>
    %slice3A_230 = vector.extract_strided_slice %get3A_220 {offsets = [0, 256], sizes = [32, 4096], strides = [1, 1]} : vector<32x4352xf32> to vector<32x4096xf32>
    %dot_general3A_231 = arith.constant dense<0.000000e+00> : vector<1x4096xf32>
    %dot_general3A_232 = tpu.matmul %get3A_229, %slice3A_230, %dot_general3A_231 {dimension_numbers = #tpu.dot_dimension_numbers<[1], [0], [0], [1], [0, 0, 1, 1], [], []>, transpose_lhs_hint = false} : vector<1x32xf32>, vector<32x4096xf32>, vector<1x4096xf32> -> vector<1x4096xf32>
    %squeeze3A_233 = vector.shape_cast %dot_general3A_226 : vector<1x256xf32> to vector<256xf32>
    %get3A_234 = arith.constant 0 : index
    %get3A_235 = memref.load %arg4[%get3A_234] : memref<1xf32, #tpu.memory_space<smem>>
    %add3A_236 = vector.broadcast %get3A_235 : f32 to vector<256xf32>
    %add3A_237 = arith.addf %squeeze3A_233, %add3A_236 : vector<256xf32>
    %swap3A_238 = arith.constant 6 : index
    %swap3A_239 = arith.constant 0 : index
    %swap3A_240 = vector.load %arg6[%swap3A_238, %swap3A_239] : memref<16x256xf32, #tpu.memory_space<vmem>>, vector<1x256xf32>
    %swap3A_241 = vector.shape_cast %swap3A_240 : vector<1x256xf32> to vector<256xf32>
    %swap3A_242 = vector.shape_cast %add3A_237 : vector<256xf32> to vector<1x256xf32>
    tpu.vector_store %arg6[%swap3A_238, %swap3A_239], %swap3A_242 {strides = array<i32>} : memref<16x256xf32, #tpu.memory_space<vmem>>, vector<1x256xf32>,
    %squeeze3A_243 = vector.shape_cast %dot_general3A_232 : vector<1x4096xf32> to vector<4096xf32>
    %get3A_244 = arith.constant 0 : index
    %get3A_245 = memref.load %arg5[%get3A_244] : memref<1xf32, #tpu.memory_space<smem>>
    %add3A_246 = vector.broadcast %get3A_245 : f32 to vector<4096xf32>
    %add3A_247 = arith.addf %squeeze3A_243, %add3A_246 : vector<4096xf32>
    %swap3A_248 = arith.constant 6 : index
    %swap3A_249 = arith.constant 0 : index
    %swap3A_250 = vector.load %arg7[%swap3A_248, %swap3A_249] : memref<16x4096xf32, #tpu.memory_space<vmem>>, vector<1x4096xf32>
    %swap3A_251 = vector.shape_cast %swap3A_250 : vector<1x4096xf32> to vector<4096xf32>
    %swap3A_252 = vector.shape_cast %add3A_247 : vector<4096xf32> to vector<1x4096xf32>
    tpu.vector_store %arg7[%swap3A_248, %swap3A_249], %swap3A_252 {strides = array<i32>} : memref<16x4096xf32, #tpu.memory_space<vmem>>, vector<1x4096xf32>,
    %get3A_253 = arith.constant 7 : index
    %get3A_254 = arith.constant 0 : index
    %get3A_255 = arith.constant 0 : index
    %get3A_256 = vector.load %arg1[%get3A_253, %get3A_254, %get3A_255] : memref<16x32x4352xf32, #tpu.memory_space<vmem>>, vector<1x32x4352xf32>
    %get3A_257 = vector.shape_cast %get3A_256 : vector<1x32x4352xf32> to vector<32x4352xf32>
    %get3A_258 = arith.constant 0 : index
    %get3A_259 = arith.constant 0 : index
    %get3A_260 = vector.load %arg2[%get3A_258, %get3A_259] : memref<1x32xf32, #tpu.memory_space<vmem>>, vector<1x32xf32>
    %slice3A_261 = vector.extract_strided_slice %get3A_257 {offsets = [0, 0], sizes = [32, 256], strides = [1, 1]} : vector<32x4352xf32> to vector<32x256xf32>
    %dot_general3A_262 = arith.constant dense<0.000000e+00> : vector<1x256xf32>
    %dot_general3A_263 = tpu.matmul %get3A_260, %slice3A_261, %dot_general3A_262 {dimension_numbers = #tpu.dot_dimension_numbers<[1], [0], [0], [1], [0, 0, 1, 1], [], []>, transpose_lhs_hint = false} : vector<1x32xf32>, vector<32x256xf32>, vector<1x256xf32> -> vector<1x256xf32>
    %get3A_264 = arith.constant 0 : index
    %get3A_265 = arith.constant 0 : index
    %get3A_266 = vector.load %arg3[%get3A_264, %get3A_265] : memref<1x32xf32, #tpu.memory_space<vmem>>, vector<1x32xf32>
    %slice3A_267 = vector.extract_strided_slice %get3A_257 {offsets = [0, 256], sizes = [32, 4096], strides = [1, 1]} : vector<32x4352xf32> to vector<32x4096xf32>
    %dot_general3A_268 = arith.constant dense<0.000000e+00> : vector<1x4096xf32>
    %dot_general3A_269 = tpu.matmul %get3A_266, %slice3A_267, %dot_general3A_268 {dimension_numbers = #tpu.dot_dimension_numbers<[1], [0], [0], [1], [0, 0, 1, 1], [], []>, transpose_lhs_hint = false} : vector<1x32xf32>, vector<32x4096xf32>, vector<1x4096xf32> -> vector<1x4096xf32>
    %squeeze3A_270 = vector.shape_cast %dot_general3A_263 : vector<1x256xf32> to vector<256xf32>
    %get3A_271 = arith.constant 0 : index
    %get3A_272 = memref.load %arg4[%get3A_271] : memref<1xf32, #tpu.memory_space<smem>>
    %add3A_273 = vector.broadcast %get3A_272 : f32 to vector<256xf32>
    %add3A_274 = arith.addf %squeeze3A_270, %add3A_273 : vector<256xf32>
    %swap3A_275 = arith.constant 7 : index
    %swap3A_276 = arith.constant 0 : index
    %swap3A_277 = vector.load %arg6[%swap3A_275, %swap3A_276] : memref<16x256xf32, #tpu.memory_space<vmem>>, vector<1x256xf32>
    %swap3A_278 = vector.shape_cast %swap3A_277 : vector<1x256xf32> to vector<256xf32>
    %swap3A_279 = vector.shape_cast %add3A_274 : vector<256xf32> to vector<1x256xf32>
    tpu.vector_store %arg6[%swap3A_275, %swap3A_276], %swap3A_279 {strides = array<i32>} : memref<16x256xf32, #tpu.memory_space<vmem>>, vector<1x256xf32>,
    %squeeze3A_280 = vector.shape_cast %dot_general3A_269 : vector<1x4096xf32> to vector<4096xf32>
    %get3A_281 = arith.constant 0 : index
    %get3A_282 = memref.load %arg5[%get3A_281] : memref<1xf32, #tpu.memory_space<smem>>
    %add3A_283 = vector.broadcast %get3A_282 : f32 to vector<4096xf32>
    %add3A_284 = arith.addf %squeeze3A_280, %add3A_283 : vector<4096xf32>
    %swap3A_285 = arith.constant 7 : index
    %swap3A_286 = arith.constant 0 : index
    %swap3A_287 = vector.load %arg7[%swap3A_285, %swap3A_286] : memref<16x4096xf32, #tpu.memory_space<vmem>>, vector<1x4096xf32>
    %swap3A_288 = vector.shape_cast %swap3A_287 : vector<1x4096xf32> to vector<4096xf32>
    %swap3A_289 = vector.shape_cast %add3A_284 : vector<4096xf32> to vector<1x4096xf32>
    tpu.vector_store %arg7[%swap3A_285, %swap3A_286], %swap3A_289 {strides = array<i32>} : memref<16x4096xf32, #tpu.memory_space<vmem>>, vector<1x4096xf32>,
    %get3A_290 = arith.constant 8 : index
    %get3A_291 = arith.constant 0 : index
    %get3A_292 = arith.constant 0 : index
    %get3A_293 = vector.load %arg1[%get3A_290, %get3A_291, %get3A_292] : memref<16x32x4352xf32, #tpu.memory_space<vmem>>, vector<1x32x4352xf32>
    %get3A_294 = vector.shape_cast %get3A_293 : vector<1x32x4352xf32> to vector<32x4352xf32>
    %get3A_295 = arith.constant 0 : index
    %get3A_296 = arith.constant 0 : index
    %get3A_297 = vector.load %arg2[%get3A_295, %get3A_296] : memref<1x32xf32, #tpu.memory_space<vmem>>, vector<1x32xf32>
    %slice3A_298 = vector.extract_strided_slice %get3A_294 {offsets = [0, 0], sizes = [32, 256], strides = [1, 1]} : vector<32x4352xf32> to vector<32x256xf32>
    %dot_general3A_299 = arith.constant dense<0.000000e+00> : vector<1x256xf32>
    %dot_general3A_300 = tpu.matmul %get3A_297, %slice3A_298, %dot_general3A_299 {dimension_numbers = #tpu.dot_dimension_numbers<[1], [0], [0], [1], [0, 0, 1, 1], [], []>, transpose_lhs_hint = false} : vector<1x32xf32>, vector<32x256xf32>, vector<1x256xf32> -> vector<1x256xf32>
    %get3A_301 = arith.constant 0 : index
    %get3A_302 = arith.constant 0 : index
    %get3A_303 = vector.load %arg3[%get3A_301, %get3A_302] : memref<1x32xf32, #tpu.memory_space<vmem>>, vector<1x32xf32>
    %slice3A_304 = vector.extract_strided_slice %get3A_294 {offsets = [0, 256], sizes = [32, 4096], strides = [1, 1]} : vector<32x4352xf32> to vector<32x4096xf32>
    %dot_general3A_305 = arith.constant dense<0.000000e+00> : vector<1x4096xf32>
    %dot_general3A_306 = tpu.matmul %get3A_303, %slice3A_304, %dot_general3A_305 {dimension_numbers = #tpu.dot_dimension_numbers<[1], [0], [0], [1], [0, 0, 1, 1], [], []>, transpose_lhs_hint = false} : vector<1x32xf32>, vector<32x4096xf32>, vector<1x4096xf32> -> vector<1x4096xf32>
    %squeeze3A_307 = vector.shape_cast %dot_general3A_300 : vector<1x256xf32> to vector<256xf32>
    %get3A_308 = arith.constant 0 : index
    %get3A_309 = memref.load %arg4[%get3A_308] : memref<1xf32, #tpu.memory_space<smem>>
    %add3A_310 = vector.broadcast %get3A_309 : f32 to vector<256xf32>
    %add3A_311 = arith.addf %squeeze3A_307, %add3A_310 : vector<256xf32>
    %swap3A_312 = arith.constant 8 : index
    %swap3A_313 = arith.constant 0 : index
    %swap3A_314 = vector.load %arg6[%swap3A_312, %swap3A_313] : memref<16x256xf32, #tpu.memory_space<vmem>>, vector<1x256xf32>
    %swap3A_315 = vector.shape_cast %swap3A_314 : vector<1x256xf32> to vector<256xf32>
    %swap3A_316 = vector.shape_cast %add3A_311 : vector<256xf32> to vector<1x256xf32>
    tpu.vector_store %arg6[%swap3A_312, %swap3A_313], %swap3A_316 {strides = array<i32>} : memref<16x256xf32, #tpu.memory_space<vmem>>, vector<1x256xf32>,
    %squeeze3A_317 = vector.shape_cast %dot_general3A_306 : vector<1x4096xf32> to vector<4096xf32>
    %get3A_318 = arith.constant 0 : index
    %get3A_319 = memref.load %arg5[%get3A_318] : memref<1xf32, #tpu.memory_space<smem>>
    %add3A_320 = vector.broadcast %get3A_319 : f32 to vector<4096xf32>
    %add3A_321 = arith.addf %squeeze3A_317, %add3A_320 : vector<4096xf32>
    %swap3A_322 = arith.constant 8 : index
    %swap3A_323 = arith.constant 0 : index
    %swap3A_324 = vector.load %arg7[%swap3A_322, %swap3A_323] : memref<16x4096xf32, #tpu.memory_space<vmem>>, vector<1x4096xf32>
    %swap3A_325 = vector.shape_cast %swap3A_324 : vector<1x4096xf32> to vector<4096xf32>
    %swap3A_326 = vector.shape_cast %add3A_321 : vector<4096xf32> to vector<1x4096xf32>
    tpu.vector_store %arg7[%swap3A_322, %swap3A_323], %swap3A_326 {strides = array<i32>} : memref<16x4096xf32, #tpu.memory_space<vmem>>, vector<1x4096xf32>,
    %get3A_327 = arith.constant 9 : index
    %get3A_328 = arith.constant 0 : index
    %get3A_329 = arith.constant 0 : index
    %get3A_330 = vector.load %arg1[%get3A_327, %get3A_328, %get3A_329] : memref<16x32x4352xf32, #tpu.memory_space<vmem>>, vector<1x32x4352xf32>
    %get3A_331 = vector.shape_cast %get3A_330 : vector<1x32x4352xf32> to vector<32x4352xf32>
    %get3A_332 = arith.constant 0 : index
    %get3A_333 = arith.constant 0 : index
    %get3A_334 = vector.load %arg2[%get3A_332, %get3A_333] : memref<1x32xf32, #tpu.memory_space<vmem>>, vector<1x32xf32>
    %slice3A_335 = vector.extract_strided_slice %get3A_331 {offsets = [0, 0], sizes = [32, 256], strides = [1, 1]} : vector<32x4352xf32> to vector<32x256xf32>
    %dot_general3A_336 = arith.constant dense<0.000000e+00> : vector<1x256xf32>
    %dot_general3A_337 = tpu.matmul %get3A_334, %slice3A_335, %dot_general3A_336 {dimension_numbers = #tpu.dot_dimension_numbers<[1], [0], [0], [1], [0, 0, 1, 1], [], []>, transpose_lhs_hint = false} : vector<1x32xf32>, vector<32x256xf32>, vector<1x256xf32> -> vector<1x256xf32>
    %get3A_338 = arith.constant 0 : index
    %get3A_339 = arith.constant 0 : index
    %get3A_340 = vector.load %arg3[%get3A_338, %get3A_339] : memref<1x32xf32, #tpu.memory_space<vmem>>, vector<1x32xf32>
    %slice3A_341 = vector.extract_strided_slice %get3A_331 {offsets = [0, 256], sizes = [32, 4096], strides = [1, 1]} : vector<32x4352xf32> to vector<32x4096xf32>
    %dot_general3A_342 = arith.constant dense<0.000000e+00> : vector<1x4096xf32>
    %dot_general3A_343 = tpu.matmul %get3A_340, %slice3A_341, %dot_general3A_342 {dimension_numbers = #tpu.dot_dimension_numbers<[1], [0], [0], [1], [0, 0, 1, 1], [], []>, transpose_lhs_hint = false} : vector<1x32xf32>, vector<32x4096xf32>, vector<1x4096xf32> -> vector<1x4096xf32>
    %squeeze3A_344 = vector.shape_cast %dot_general3A_337 : vector<1x256xf32> to vector<256xf32>
    %get3A_345 = arith.constant 0 : index
    %get3A_346 = memref.load %arg4[%get3A_345] : memref<1xf32, #tpu.memory_space<smem>>
    %add3A_347 = vector.broadcast %get3A_346 : f32 to vector<256xf32>
    %add3A_348 = arith.addf %squeeze3A_344, %add3A_347 : vector<256xf32>
    %swap3A_349 = arith.constant 9 : index
    %swap3A_350 = arith.constant 0 : index
    %swap3A_351 = vector.load %arg6[%swap3A_349, %swap3A_350] : memref<16x256xf32, #tpu.memory_space<vmem>>, vector<1x256xf32>
    %swap3A_352 = vector.shape_cast %swap3A_351 : vector<1x256xf32> to vector<256xf32>
    %swap3A_353 = vector.shape_cast %add3A_348 : vector<256xf32> to vector<1x256xf32>
    tpu.vector_store %arg6[%swap3A_349, %swap3A_350], %swap3A_353 {strides = array<i32>} : memref<16x256xf32, #tpu.memory_space<vmem>>, vector<1x256xf32>,
    %squeeze3A_354 = vector.shape_cast %dot_general3A_343 : vector<1x4096xf32> to vector<4096xf32>
    %get3A_355 = arith.constant 0 : index
    %get3A_356 = memref.load %arg5[%get3A_355] : memref<1xf32, #tpu.memory_space<smem>>
    %add3A_357 = vector.broadcast %get3A_356 : f32 to vector<4096xf32>
    %add3A_358 = arith.addf %squeeze3A_354, %add3A_357 : vector<4096xf32>
    %swap3A_359 = arith.constant 9 : index
    %swap3A_360 = arith.constant 0 : index
    %swap3A_361 = vector.load %arg7[%swap3A_359, %swap3A_360] : memref<16x4096xf32, #tpu.memory_space<vmem>>, vector<1x4096xf32>
    %swap3A_362 = vector.shape_cast %swap3A_361 : vector<1x4096xf32> to vector<4096xf32>
    %swap3A_363 = vector.shape_cast %add3A_358 : vector<4096xf32> to vector<1x4096xf32>
    tpu.vector_store %arg7[%swap3A_359, %swap3A_360], %swap3A_363 {strides = array<i32>} : memref<16x4096xf32, #tpu.memory_space<vmem>>, vector<1x4096xf32>,
    %get3A_364 = arith.constant 10 : index
    %get3A_365 = arith.constant 0 : index
    %get3A_366 = arith.constant 0 : index
    %get3A_367 = vector.load %arg1[%get3A_364, %get3A_365, %get3A_366] : memref<16x32x4352xf32, #tpu.memory_space<vmem>>, vector<1x32x4352xf32>
    %get3A_368 = vector.shape_cast %get3A_367 : vector<1x32x4352xf32> to vector<32x4352xf32>
    %get3A_369 = arith.constant 0 : index
    %get3A_370 = arith.constant 0 : index
    %get3A_371 = vector.load %arg2[%get3A_369, %get3A_370] : memref<1x32xf32, #tpu.memory_space<vmem>>, vector<1x32xf32>
    %slice3A_372 = vector.extract_strided_slice %get3A_368 {offsets = [0, 0], sizes = [32, 256], strides = [1, 1]} : vector<32x4352xf32> to vector<32x256xf32>
    %dot_general3A_373 = arith.constant dense<0.000000e+00> : vector<1x256xf32>
    %dot_general3A_374 = tpu.matmul %get3A_371, %slice3A_372, %dot_general3A_373 {dimension_numbers = #tpu.dot_dimension_numbers<[1], [0], [0], [1], [0, 0, 1, 1], [], []>, transpose_lhs_hint = false} : vector<1x32xf32>, vector<32x256xf32>, vector<1x256xf32> -> vector<1x256xf32>
    %get3A_375 = arith.constant 0 : index
    %get3A_376 = arith.constant 0 : index
    %get3A_377 = vector.load %arg3[%get3A_375, %get3A_376] : memref<1x32xf32, #tpu.memory_space<vmem>>, vector<1x32xf32>
    %slice3A_378 = vector.extract_strided_slice %get3A_368 {offsets = [0, 256], sizes = [32, 4096], strides = [1, 1]} : vector<32x4352xf32> to vector<32x4096xf32>
    %dot_general3A_379 = arith.constant dense<0.000000e+00> : vector<1x4096xf32>
    %dot_general3A_380 = tpu.matmul %get3A_377, %slice3A_378, %dot_general3A_379 {dimension_numbers = #tpu.dot_dimension_numbers<[1], [0], [0], [1], [0, 0, 1, 1], [], []>, transpose_lhs_hint = false} : vector<1x32xf32>, vector<32x4096xf32>, vector<1x4096xf32> -> vector<1x4096xf32>
    %squeeze3A_381 = vector.shape_cast %dot_general3A_374 : vector<1x256xf32> to vector<256xf32>
    %get3A_382 = arith.constant 0 : index
    %get3A_383 = memref.load %arg4[%get3A_382] : memref<1xf32, #tpu.memory_space<smem>>
    %add3A_384 = vector.broadcast %get3A_383 : f32 to vector<256xf32>
    %add3A_385 = arith.addf %squeeze3A_381, %add3A_384 : vector<256xf32>
    %swap3A_386 = arith.constant 10 : index
    %swap3A_387 = arith.constant 0 : index
    %swap3A_388 = vector.load %arg6[%swap3A_386, %swap3A_387] : memref<16x256xf32, #tpu.memory_space<vmem>>, vector<1x256xf32>
    %swap3A_389 = vector.shape_cast %swap3A_388 : vector<1x256xf32> to vector<256xf32>
    %swap3A_390 = vector.shape_cast %add3A_385 : vector<256xf32> to vector<1x256xf32>
    tpu.vector_store %arg6[%swap3A_386, %swap3A_387], %swap3A_390 {strides = array<i32>} : memref<16x256xf32, #tpu.memory_space<vmem>>, vector<1x256xf32>,
    %squeeze3A_391 = vector.shape_cast %dot_general3A_380 : vector<1x4096xf32> to vector<4096xf32>
    %get3A_392 = arith.constant 0 : index
    %get3A_393 = memref.load %arg5[%get3A_392] : memref<1xf32, #tpu.memory_space<smem>>
    %add3A_394 = vector.broadcast %get3A_393 : f32 to vector<4096xf32>
    %add3A_395 = arith.addf %squeeze3A_391, %add3A_394 : vector<4096xf32>
    %swap3A_396 = arith.constant 10 : index
    %swap3A_397 = arith.constant 0 : index
    %swap3A_398 = vector.load %arg7[%swap3A_396, %swap3A_397] : memref<16x4096xf32, #tpu.memory_space<vmem>>, vector<1x4096xf32>
    %swap3A_399 = vector.shape_cast %swap3A_398 : vector<1x4096xf32> to vector<4096xf32>
    %swap3A_400 = vector.shape_cast %add3A_395 : vector<4096xf32> to vector<1x4096xf32>
    tpu.vector_store %arg7[%swap3A_396, %swap3A_397], %swap3A_400 {strides = array<i32>} : memref<16x4096xf32, #tpu.memory_space<vmem>>, vector<1x4096xf32>,
    %get3A_401 = arith.constant 11 : index
    %get3A_402 = arith.constant 0 : index
    %get3A_403 = arith.constant 0 : index
    %get3A_404 = vector.load %arg1[%get3A_401, %get3A_402, %get3A_403] : memref<16x32x4352xf32, #tpu.memory_space<vmem>>, vector<1x32x4352xf32>
    %get3A_405 = vector.shape_cast %get3A_404 : vector<1x32x4352xf32> to vector<32x4352xf32>
    %get3A_406 = arith.constant 0 : index
    %get3A_407 = arith.constant 0 : index
    %get3A_408 = vector.load %arg2[%get3A_406, %get3A_407] : memref<1x32xf32, #tpu.memory_space<vmem>>, vector<1x32xf32>
    %slice3A_409 = vector.extract_strided_slice %get3A_405 {offsets = [0, 0], sizes = [32, 256], strides = [1, 1]} : vector<32x4352xf32> to vector<32x256xf32>
    %dot_general3A_410 = arith.constant dense<0.000000e+00> : vector<1x256xf32>
    %dot_general3A_411 = tpu.matmul %get3A_408, %slice3A_409, %dot_general3A_410 {dimension_numbers = #tpu.dot_dimension_numbers<[1], [0], [0], [1], [0, 0, 1, 1], [], []>, transpose_lhs_hint = false} : vector<1x32xf32>, vector<32x256xf32>, vector<1x256xf32> -> vector<1x256xf32>
    %get3A_412 = arith.constant 0 : index
    %get3A_413 = arith.constant 0 : index
    %get3A_414 = vector.load %arg3[%get3A_412, %get3A_413] : memref<1x32xf32, #tpu.memory_space<vmem>>, vector<1x32xf32>
    %slice3A_415 = vector.extract_strided_slice %get3A_405 {offsets = [0, 256], sizes = [32, 4096], strides = [1, 1]} : vector<32x4352xf32> to vector<32x4096xf32>
    %dot_general3A_416 = arith.constant dense<0.000000e+00> : vector<1x4096xf32>
    %dot_general3A_417 = tpu.matmul %get3A_414, %slice3A_415, %dot_general3A_416 {dimension_numbers = #tpu.dot_dimension_numbers<[1], [0], [0], [1], [0, 0, 1, 1], [], []>, transpose_lhs_hint = false} : vector<1x32xf32>, vector<32x4096xf32>, vector<1x4096xf32> -> vector<1x4096xf32>
    %squeeze3A_418 = vector.shape_cast %dot_general3A_411 : vector<1x256xf32> to vector<256xf32>
    %get3A_419 = arith.constant 0 : index
    %get3A_420 = memref.load %arg4[%get3A_419] : memref<1xf32, #tpu.memory_space<smem>>
    %add3A_421 = vector.broadcast %get3A_420 : f32 to vector<256xf32>
    %add3A_422 = arith.addf %squeeze3A_418, %add3A_421 : vector<256xf32>
    %swap3A_423 = arith.constant 11 : index
    %swap3A_424 = arith.constant 0 : index
    %swap3A_425 = vector.load %arg6[%swap3A_423, %swap3A_424] : memref<16x256xf32, #tpu.memory_space<vmem>>, vector<1x256xf32>
    %swap3A_426 = vector.shape_cast %swap3A_425 : vector<1x256xf32> to vector<256xf32>
    %swap3A_427 = vector.shape_cast %add3A_422 : vector<256xf32> to vector<1x256xf32>
    tpu.vector_store %arg6[%swap3A_423, %swap3A_424], %swap3A_427 {strides = array<i32>} : memref<16x256xf32, #tpu.memory_space<vmem>>, vector<1x256xf32>,
    %squeeze3A_428 = vector.shape_cast %dot_general3A_417 : vector<1x4096xf32> to vector<4096xf32>
    %get3A_429 = arith.constant 0 : index
    %get3A_430 = memref.load %arg5[%get3A_429] : memref<1xf32, #tpu.memory_space<smem>>
    %add3A_431 = vector.broadcast %get3A_430 : f32 to vector<4096xf32>
    %add3A_432 = arith.addf %squeeze3A_428, %add3A_431 : vector<4096xf32>
    %swap3A_433 = arith.constant 11 : index
    %swap3A_434 = arith.constant 0 : index
    %swap3A_435 = vector.load %arg7[%swap3A_433, %swap3A_434] : memref<16x4096xf32, #tpu.memory_space<vmem>>, vector<1x4096xf32>
    %swap3A_436 = vector.shape_cast %swap3A_435 : vector<1x4096xf32> to vector<4096xf32>
    %swap3A_437 = vector.shape_cast %add3A_432 : vector<4096xf32> to vector<1x4096xf32>
    tpu.vector_store %arg7[%swap3A_433, %swap3A_434], %swap3A_437 {strides = array<i32>} : memref<16x4096xf32, #tpu.memory_space<vmem>>, vector<1x4096xf32>,
    %get3A_438 = arith.constant 12 : index
    %get3A_439 = arith.constant 0 : index
    %get3A_440 = arith.constant 0 : index
    %get3A_441 = vector.load %arg1[%get3A_438, %get3A_439, %get3A_440] : memref<16x32x4352xf32, #tpu.memory_space<vmem>>, vector<1x32x4352xf32>
    %get3A_442 = vector.shape_cast %get3A_441 : vector<1x32x4352xf32> to vector<32x4352xf32>
    %get3A_443 = arith.constant 0 : index
    %get3A_444 = arith.constant 0 : index
    %get3A_445 = vector.load %arg2[%get3A_443, %get3A_444] : memref<1x32xf32, #tpu.memory_space<vmem>>, vector<1x32xf32>
    %slice3A_446 = vector.extract_strided_slice %get3A_442 {offsets = [0, 0], sizes = [32, 256], strides = [1, 1]} : vector<32x4352xf32> to vector<32x256xf32>
    %dot_general3A_447 = arith.constant dense<0.000000e+00> : vector<1x256xf32>
    %dot_general3A_448 = tpu.matmul %get3A_445, %slice3A_446, %dot_general3A_447 {dimension_numbers = #tpu.dot_dimension_numbers<[1], [0], [0], [1], [0, 0, 1, 1], [], []>, transpose_lhs_hint = false} : vector<1x32xf32>, vector<32x256xf32>, vector<1x256xf32> -> vector<1x256xf32>
    %get3A_449 = arith.constant 0 : index
    %get3A_450 = arith.constant 0 : index
    %get3A_451 = vector.load %arg3[%get3A_449, %get3A_450] : memref<1x32xf32, #tpu.memory_space<vmem>>, vector<1x32xf32>
    %slice3A_452 = vector.extract_strided_slice %get3A_442 {offsets = [0, 256], sizes = [32, 4096], strides = [1, 1]} : vector<32x4352xf32> to vector<32x4096xf32>
    %dot_general3A_453 = arith.constant dense<0.000000e+00> : vector<1x4096xf32>
    %dot_general3A_454 = tpu.matmul %get3A_451, %slice3A_452, %dot_general3A_453 {dimension_numbers = #tpu.dot_dimension_numbers<[1], [0], [0], [1], [0, 0, 1, 1], [], []>, transpose_lhs_hint = false} : vector<1x32xf32>, vector<32x4096xf32>, vector<1x4096xf32> -> vector<1x4096xf32>
    %squeeze3A_455 = vector.shape_cast %dot_general3A_448 : vector<1x256xf32> to vector<256xf32>
    %get3A_456 = arith.constant 0 : index
    %get3A_457 = memref.load %arg4[%get3A_456] : memref<1xf32, #tpu.memory_space<smem>>
    %add3A_458 = vector.broadcast %get3A_457 : f32 to vector<256xf32>
    %add3A_459 = arith.addf %squeeze3A_455, %add3A_458 : vector<256xf32>
    %swap3A_460 = arith.constant 12 : index
    %swap3A_461 = arith.constant 0 : index
    %swap3A_462 = vector.load %arg6[%swap3A_460, %swap3A_461] : memref<16x256xf32, #tpu.memory_space<vmem>>, vector<1x256xf32>
    %swap3A_463 = vector.shape_cast %swap3A_462 : vector<1x256xf32> to vector<256xf32>
    %swap3A_464 = vector.shape_cast %add3A_459 : vector<256xf32> to vector<1x256xf32>
    tpu.vector_store %arg6[%swap3A_460, %swap3A_461], %swap3A_464 {strides = array<i32>} : memref<16x256xf32, #tpu.memory_space<vmem>>, vector<1x256xf32>,
    %squeeze3A_465 = vector.shape_cast %dot_general3A_454 : vector<1x4096xf32> to vector<4096xf32>
    %get3A_466 = arith.constant 0 : index
    %get3A_467 = memref.load %arg5[%get3A_466] : memref<1xf32, #tpu.memory_space<smem>>
    %add3A_468 = vector.broadcast %get3A_467 : f32 to vector<4096xf32>
    %add3A_469 = arith.addf %squeeze3A_465, %add3A_468 : vector<4096xf32>
    %swap3A_470 = arith.constant 12 : index
    %swap3A_471 = arith.constant 0 : index
    %swap3A_472 = vector.load %arg7[%swap3A_470, %swap3A_471] : memref<16x4096xf32, #tpu.memory_space<vmem>>, vector<1x4096xf32>
    %swap3A_473 = vector.shape_cast %swap3A_472 : vector<1x4096xf32> to vector<4096xf32>
    %swap3A_474 = vector.shape_cast %add3A_469 : vector<4096xf32> to vector<1x4096xf32>
    tpu.vector_store %arg7[%swap3A_470, %swap3A_471], %swap3A_474 {strides = array<i32>} : memref<16x4096xf32, #tpu.memory_space<vmem>>, vector<1x4096xf32>,
    %get3A_475 = arith.constant 13 : index
    %get3A_476 = arith.constant 0 : index
    %get3A_477 = arith.constant 0 : index
    %get3A_478 = vector.load %arg1[%get3A_475, %get3A_476, %get3A_477] : memref<16x32x4352xf32, #tpu.memory_space<vmem>>, vector<1x32x4352xf32>
    %get3A_479 = vector.shape_cast %get3A_478 : vector<1x32x4352xf32> to vector<32x4352xf32>
    %get3A_480 = arith.constant 0 : index
    %get3A_481 = arith.constant 0 : index
    %get3A_482 = vector.load %arg2[%get3A_480, %get3A_481] : memref<1x32xf32, #tpu.memory_space<vmem>>, vector<1x32xf32>
    %slice3A_483 = vector.extract_strided_slice %get3A_479 {offsets = [0, 0], sizes = [32, 256], strides = [1, 1]} : vector<32x4352xf32> to vector<32x256xf32>
    %dot_general3A_484 = arith.constant dense<0.000000e+00> : vector<1x256xf32>
    %dot_general3A_485 = tpu.matmul %get3A_482, %slice3A_483, %dot_general3A_484 {dimension_numbers = #tpu.dot_dimension_numbers<[1], [0], [0], [1], [0, 0, 1, 1], [], []>, transpose_lhs_hint = false} : vector<1x32xf32>, vector<32x256xf32>, vector<1x256xf32> -> vector<1x256xf32>
    %get3A_486 = arith.constant 0 : index
    %get3A_487 = arith.constant 0 : index
    %get3A_488 = vector.load %arg3[%get3A_486, %get3A_487] : memref<1x32xf32, #tpu.memory_space<vmem>>, vector<1x32xf32>
    %slice3A_489 = vector.extract_strided_slice %get3A_479 {offsets = [0, 256], sizes = [32, 4096], strides = [1, 1]} : vector<32x4352xf32> to vector<32x4096xf32>
    %dot_general3A_490 = arith.constant dense<0.000000e+00> : vector<1x4096xf32>
    %dot_general3A_491 = tpu.matmul %get3A_488, %slice3A_489, %dot_general3A_490 {dimension_numbers = #tpu.dot_dimension_numbers<[1], [0], [0], [1], [0, 0, 1, 1], [], []>, transpose_lhs_hint = false} : vector<1x32xf32>, vector<32x4096xf32>, vector<1x4096xf32> -> vector<1x4096xf32>
    %squeeze3A_492 = vector.shape_cast %dot_general3A_485 : vector<1x256xf32> to vector<256xf32>
    %get3A_493 = arith.constant 0 : index
    %get3A_494 = memref.load %arg4[%get3A_493] : memref<1xf32, #tpu.memory_space<smem>>
    %add3A_495 = vector.broadcast %get3A_494 : f32 to vector<256xf32>
    %add3A_496 = arith.addf %squeeze3A_492, %add3A_495 : vector<256xf32>
    %swap3A_497 = arith.constant 13 : index
    %swap3A_498 = arith.constant 0 : index
    %swap3A_499 = vector.load %arg6[%swap3A_497, %swap3A_498] : memref<16x256xf32, #tpu.memory_space<vmem>>, vector<1x256xf32>
    %swap3A_500 = vector.shape_cast %swap3A_499 : vector<1x256xf32> to vector<256xf32>
    %swap3A_501 = vector.shape_cast %add3A_496 : vector<256xf32> to vector<1x256xf32>
    tpu.vector_store %arg6[%swap3A_497, %swap3A_498], %swap3A_501 {strides = array<i32>} : memref<16x256xf32, #tpu.memory_space<vmem>>, vector<1x256xf32>,
    %squeeze3A_502 = vector.shape_cast %dot_general3A_491 : vector<1x4096xf32> to vector<4096xf32>
    %get3A_503 = arith.constant 0 : index
    %get3A_504 = memref.load %arg5[%get3A_503] : memref<1xf32, #tpu.memory_space<smem>>
    %add3A_505 = vector.broadcast %get3A_504 : f32 to vector<4096xf32>
    %add3A_506 = arith.addf %squeeze3A_502, %add3A_505 : vector<4096xf32>
    %swap3A_507 = arith.constant 13 : index
    %swap3A_508 = arith.constant 0 : index
    %swap3A_509 = vector.load %arg7[%swap3A_507, %swap3A_508] : memref<16x4096xf32, #tpu.memory_space<vmem>>, vector<1x4096xf32>
    %swap3A_510 = vector.shape_cast %swap3A_509 : vector<1x4096xf32> to vector<4096xf32>
    %swap3A_511 = vector.shape_cast %add3A_506 : vector<4096xf32> to vector<1x4096xf32>
    tpu.vector_store %arg7[%swap3A_507, %swap3A_508], %swap3A_511 {strides = array<i32>} : memref<16x4096xf32, #tpu.memory_space<vmem>>, vector<1x4096xf32>,
    %get3A_512 = arith.constant 14 : index
    %get3A_513 = arith.constant 0 : index
    %get3A_514 = arith.constant 0 : index
    %get3A_515 = vector.load %arg1[%get3A_512, %get3A_513, %get3A_514] : memref<16x32x4352xf32, #tpu.memory_space<vmem>>, vector<1x32x4352xf32>
    %get3A_516 = vector.shape_cast %get3A_515 : vector<1x32x4352xf32> to vector<32x4352xf32>
    %get3A_517 = arith.constant 0 : index
    %get3A_518 = arith.constant 0 : index
    %get3A_519 = vector.load %arg2[%get3A_517, %get3A_518] : memref<1x32xf32, #tpu.memory_space<vmem>>, vector<1x32xf32>
    %slice3A_520 = vector.extract_strided_slice %get3A_516 {offsets = [0, 0], sizes = [32, 256], strides = [1, 1]} : vector<32x4352xf32> to vector<32x256xf32>
    %dot_general3A_521 = arith.constant dense<0.000000e+00> : vector<1x256xf32>
    %dot_general3A_522 = tpu.matmul %get3A_519, %slice3A_520, %dot_general3A_521 {dimension_numbers = #tpu.dot_dimension_numbers<[1], [0], [0], [1], [0, 0, 1, 1], [], []>, transpose_lhs_hint = false} : vector<1x32xf32>, vector<32x256xf32>, vector<1x256xf32> -> vector<1x256xf32>
    %get3A_523 = arith.constant 0 : index
    %get3A_524 = arith.constant 0 : index
    %get3A_525 = vector.load %arg3[%get3A_523, %get3A_524] : memref<1x32xf32, #tpu.memory_space<vmem>>, vector<1x32xf32>
    %slice3A_526 = vector.extract_strided_slice %get3A_516 {offsets = [0, 256], sizes = [32, 4096], strides = [1, 1]} : vector<32x4352xf32> to vector<32x4096xf32>
    %dot_general3A_527 = arith.constant dense<0.000000e+00> : vector<1x4096xf32>
    %dot_general3A_528 = tpu.matmul %get3A_525, %slice3A_526, %dot_general3A_527 {dimension_numbers = #tpu.dot_dimension_numbers<[1], [0], [0], [1], [0, 0, 1, 1], [], []>, transpose_lhs_hint = false} : vector<1x32xf32>, vector<32x4096xf32>, vector<1x4096xf32> -> vector<1x4096xf32>
    %squeeze3A_529 = vector.shape_cast %dot_general3A_522 : vector<1x256xf32> to vector<256xf32>
    %get3A_530 = arith.constant 0 : index
    %get3A_531 = memref.load %arg4[%get3A_530] : memref<1xf32, #tpu.memory_space<smem>>
    %add3A_532 = vector.broadcast %get3A_531 : f32 to vector<256xf32>
    %add3A_533 = arith.addf %squeeze3A_529, %add3A_532 : vector<256xf32>
    %swap3A_534 = arith.constant 14 : index
    %swap3A_535 = arith.constant 0 : index
    %swap3A_536 = vector.load %arg6[%swap3A_534, %swap3A_535] : memref<16x256xf32, #tpu.memory_space<vmem>>, vector<1x256xf32>
    %swap3A_537 = vector.shape_cast %swap3A_536 : vector<1x256xf32> to vector<256xf32>
    %swap3A_538 = vector.shape_cast %add3A_533 : vector<256xf32> to vector<1x256xf32>
    tpu.vector_store %arg6[%swap3A_534, %swap3A_535], %swap3A_538 {strides = array<i32>} : memref<16x256xf32, #tpu.memory_space<vmem>>, vector<1x256xf32>,
    %squeeze3A_539 = vector.shape_cast %dot_general3A_528 : vector<1x4096xf32> to vector<4096xf32>
    %get3A_540 = arith.constant 0 : index
    %get3A_541 = memref.load %arg5[%get3A_540] : memref<1xf32, #tpu.memory_space<smem>>
    %add3A_542 = vector.broadcast %get3A_541 : f32 to vector<4096xf32>
    %add3A_543 = arith.addf %squeeze3A_539, %add3A_542 : vector<4096xf32>
    %swap3A_544 = arith.constant 14 : index
    %swap3A_545 = arith.constant 0 : index
    %swap3A_546 = vector.load %arg7[%swap3A_544, %swap3A_545] : memref<16x4096xf32, #tpu.memory_space<vmem>>, vector<1x4096xf32>
    %swap3A_547 = vector.shape_cast %swap3A_546 : vector<1x4096xf32> to vector<4096xf32>
    %swap3A_548 = vector.shape_cast %add3A_543 : vector<4096xf32> to vector<1x4096xf32>
    tpu.vector_store %arg7[%swap3A_544, %swap3A_545], %swap3A_548 {strides = array<i32>} : memref<16x4096xf32, #tpu.memory_space<vmem>>, vector<1x4096xf32>,
    %get3A_549 = arith.constant 15 : index
    %get3A_550 = arith.constant 0 : index
    %get3A_551 = arith.constant 0 : index
    %get3A_552 = vector.load %arg1[%get3A_549, %get3A_550, %get3A_551] : memref<16x32x4352xf32, #tpu.memory_space<vmem>>, vector<1x32x4352xf32>
    %get3A_553 = vector.shape_cast %get3A_552 : vector<1x32x4352xf32> to vector<32x4352xf32>
    %get3A_554 = arith.constant 0 : index
    %get3A_555 = arith.constant 0 : index
    %get3A_556 = vector.load %arg2[%get3A_554, %get3A_555] : memref<1x32xf32, #tpu.memory_space<vmem>>, vector<1x32xf32>
    %slice3A_557 = vector.extract_strided_slice %get3A_553 {offsets = [0, 0], sizes = [32, 256], strides = [1, 1]} : vector<32x4352xf32> to vector<32x256xf32>
    %dot_general3A_558 = arith.constant dense<0.000000e+00> : vector<1x256xf32>
    %dot_general3A_559 = tpu.matmul %get3A_556, %slice3A_557, %dot_general3A_558 {dimension_numbers = #tpu.dot_dimension_numbers<[1], [0], [0], [1], [0, 0, 1, 1], [], []>, transpose_lhs_hint = false} : vector<1x32xf32>, vector<32x256xf32>, vector<1x256xf32> -> vector<1x256xf32>
    %get3A_560 = arith.constant 0 : index
    %get3A_561 = arith.constant 0 : index
    %get3A_562 = vector.load %arg3[%get3A_560, %get3A_561] : memref<1x32xf32, #tpu.memory_space<vmem>>, vector<1x32xf32>
    %slice3A_563 = vector.extract_strided_slice %get3A_553 {offsets = [0, 256], sizes = [32, 4096], strides = [1, 1]} : vector<32x4352xf32> to vector<32x4096xf32>
    %dot_general3A_564 = arith.constant dense<0.000000e+00> : vector<1x4096xf32>
    %dot_general3A_565 = tpu.matmul %get3A_562, %slice3A_563, %dot_general3A_564 {dimension_numbers = #tpu.dot_dimension_numbers<[1], [0], [0], [1], [0, 0, 1, 1], [], []>, transpose_lhs_hint = false} : vector<1x32xf32>, vector<32x4096xf32>, vector<1x4096xf32> -> vector<1x4096xf32>
    %squeeze3A_566 = vector.shape_cast %dot_general3A_559 : vector<1x256xf32> to vector<256xf32>
    %get3A_567 = arith.constant 0 : index
    %get3A_568 = memref.load %arg4[%get3A_567] : memref<1xf32, #tpu.memory_space<smem>>
    %add3A_569 = vector.broadcast %get3A_568 : f32 to vector<256xf32>
    %add3A_570 = arith.addf %squeeze3A_566, %add3A_569 : vector<256xf32>
    %swap3A_571 = arith.constant 15 : index
    %swap3A_572 = arith.constant 0 : index
    %swap3A_573 = vector.load %arg6[%swap3A_571, %swap3A_572] : memref<16x256xf32, #tpu.memory_space<vmem>>, vector<1x256xf32>
    %swap3A_574 = vector.shape_cast %swap3A_573 : vector<1x256xf32> to vector<256xf32>
    %swap3A_575 = vector.shape_cast %add3A_570 : vector<256xf32> to vector<1x256xf32>
    tpu.vector_store %arg6[%swap3A_571, %swap3A_572], %swap3A_575 {strides = array<i32>} : memref<16x256xf32, #tpu.memory_space<vmem>>, vector<1x256xf32>,
    %squeeze3A_576 = vector.shape_cast %dot_general3A_565 : vector<1x4096xf32> to vector<4096xf32>
    %get3A_577 = arith.constant 0 : index
    %get3A_578 = memref.load %arg5[%get3A_577] : memref<1xf32, #tpu.memory_space<smem>>
    %add3A_579 = vector.broadcast %get3A_578 : f32 to vector<4096xf32>
    %add3A_580 = arith.addf %squeeze3A_576, %add3A_579 : vector<4096xf32>
    %swap3A_581 = arith.constant 15 : index
    %swap3A_582 = arith.constant 0 : index
    %swap3A_583 = vector.load %arg7[%swap3A_581, %swap3A_582] : memref<16x4096xf32, #tpu.memory_space<vmem>>, vector<1x4096xf32>
    %swap3A_584 = vector.shape_cast %swap3A_583 : vector<1x4096xf32> to vector<4096xf32>
    %swap3A_585 = vector.shape_cast %add3A_580 : vector<4096xf32> to vector<1x4096xf32>
    tpu.vector_store %arg7[%swap3A_581, %swap3A_582], %swap3A_585 {strides = array<i32>} : memref<16x4096xf32, #tpu.memory_space<vmem>>, vector<1x4096xf32>,
    return
  }
  func.func @transform_0(%arg0: i32) -> (i32, i32, i32) {
    %c0_i32 = arith.constant 0 : i32
    %c0_i32_0 = arith.constant 0 : i32
    %c0_i32_1 = arith.constant 0 : i32
    return %arg0, %c0_i32, %c0_i32_0 : i32, i32, i32
  }
  func.func @transform_1(%arg0: i32) -> (i32, i32) {
    %c0_i32 = arith.constant 0 : i32
    %c0_i32_0 = arith.constant 0 : i32
    %c0_i32_1 = arith.constant 0 : i32
    return %c0_i32, %c0_i32_0 : i32, i32
  }
  func.func @transform_2(%arg0: i32) -> (i32, i32) {
    %c0_i32 = arith.constant 0 : i32
    %c0_i32_0 = arith.constant 0 : i32
    %c0_i32_1 = arith.constant 0 : i32
    return %c0_i32, %c0_i32_0 : i32, i32
  }
  func.func @transform_3(%arg0: i32) -> i32 {
    %c0_i32 = arith.constant 0 : i32
    %c0_i32_0 = arith.constant 0 : i32
    return %c0_i32 : i32
  }
  func.func @transform_4(%arg0: i32) -> i32 {
    %c0_i32 = arith.constant 0 : i32
    %c0_i32_0 = arith.constant 0 : i32
    return %c0_i32 : i32
  }
  func.func @transform_5(%arg0: i32) -> (i32, i32) {
    %c0_i32 = arith.constant 0 : i32
    %c0_i32_0 = arith.constant 0 : i32
    return %arg0, %c0_i32 : i32, i32
  }
  func.func @transform_6(%arg0: i32) -> (i32, i32) {
    %c0_i32 = arith.constant 0 : i32
    %c0_i32_0 = arith.constant 0 : i32
    return %arg0, %c0_i32 : i32, i32
  }
}

module attributes {stable_mosaic.version = 14 : i64} {
  func.func @_post_body(%arg0: memref<64x256xf32, #tpu.memory_space<vmem>>, %arg1: memref<64x1024xf32, #tpu.memory_space<vmem>>, %arg2: memref<256x1024xf32, #tpu.memory_space<vmem>>, %arg3: memref<2x2x3x3xf32, #tpu.memory_space<smem>>, %arg4: memref<2xf32, #tpu.memory_space<smem>>, %arg5: memref<1x2x3x3xf32, #tpu.memory_space<smem>>, %arg6: memref<1xf32, #tpu.memory_space<smem>>, %arg7: memref<64x1024xf32, #tpu.memory_space<vmem>>) attributes {dimension_semantics = [], scalar_prefetch = 0 : i64, scratch_operands = 0 : i64, tpu.core_type = #tpu.core_type<tc>} {
    %get3A = arith.constant 0 : index
    %get3A_0 = arith.constant 0 : index
    %get3A_1 = vector.load %arg0[%get3A, %get3A_0] : memref<64x256xf32, #tpu.memory_space<vmem>>, vector<64x256xf32>
    %get3A_2 = arith.constant 0 : index
    %get3A_3 = arith.constant 0 : index
    %get3A_4 = vector.load %arg2[%get3A_2, %get3A_3] : memref<256x1024xf32, #tpu.memory_space<vmem>>, vector<256x1024xf32>
    %dot_general3A = arith.constant dense<0.000000e+00> : vector<64x1024xf32>
    %dot_general3A_5 = tpu.matmul %get3A_1, %get3A_4, %dot_general3A {dimension_numbers = #tpu.dot_dimension_numbers<[1], [0], [0], [1], [0, 0, 1, 1], [], []>, transpose_lhs_hint = false} : vector<64x256xf32>, vector<256x1024xf32>, vector<64x1024xf32> -> vector<64x1024xf32>
    %get3A_6 = arith.constant 0 : index
    %get3A_7 = arith.constant 0 : index
    %get3A_8 = vector.load %arg1[%get3A_6, %get3A_7] : memref<64x1024xf32, #tpu.memory_space<vmem>>, vector<64x1024xf32>
    %iota3A = tpu.iota {dimensions = array<i32: 1>} : vector<64x1024xi32>
    %jit3A = arith.constant 32 : i32
    %eq3A = arith.constant 0 : i32
    %eq3A_9 = arith.cmpi eq, %jit3A, %eq3A : i32
    %jit3A_10 = arith.constant 1 : i32
    %select_n3A = arith.select %eq3A_9, %jit3A_10, %jit3A : i32
    %rem3A = vector.broadcast %select_n3A : i32 to vector<64x1024xi32>
    %rem3A_11 = arith.remsi %iota3A, %rem3A : vector<64x1024xi32>
    %ne3A = arith.constant 0 : i32
    %ne3A_12 = vector.broadcast %ne3A : i32 to vector<64x1024xi32>
    %ne3A_13 = arith.cmpi ne, %rem3A_11, %ne3A_12 : vector<64x1024xi32>
    %lt3A = arith.constant 0 : i32
    %lt3A_14 = vector.broadcast %lt3A : i32 to vector<64x1024xi32>
    %lt3A_15 = arith.cmpi slt, %rem3A_11, %lt3A_14 : vector<64x1024xi32>
    %lt3A_16 = arith.constant 0 : i32
    %lt3A_17 = arith.cmpi slt, %select_n3A, %lt3A_16 : i32
    %ne3A_18 = vector.broadcast %lt3A_17 : i1 to vector<64x1024xi1>
    %ne3A_19 = vector.broadcast %ne3A_18 : vector<64x1024xi1> to vector<64x1024xi1>
    %ne3A_20 = arith.xori %lt3A_15, %ne3A_19 : vector<64x1024xi1>
    %and3A = arith.andi %ne3A_20, %ne3A_13 : vector<64x1024xi1>
    %add3A = vector.broadcast %select_n3A : i32 to vector<64x1024xi32>
    %add3A_21 = arith.addi %rem3A_11, %add3A : vector<64x1024xi32>
    %select_n3A_22 = arith.select %and3A, %add3A_21, %rem3A_11 : vector<64x1024xi1>, vector<64x1024xi32>
    %le3A = arith.constant 30 : i32
    %le3A_23 = vector.broadcast %le3A : i32 to vector<64x1024xi32>
    %le3A_24 = arith.cmpi sle, %select_n3A_22, %le3A_23 : vector<64x1024xi32>
    %convert_element_type3A = arith.extui %le3A_24 : vector<64x1024xi1> to vector<64x1024xi32>
    %convert_element_type3A_25 = arith.sitofp %convert_element_type3A : vector<64x1024xi32> to vector<64x1024xf32>
    %ge3A = arith.constant 1 : i32
    %ge3A_26 = vector.broadcast %ge3A : i32 to vector<64x1024xi32>
    %ge3A_27 = arith.cmpi sge, %select_n3A_22, %ge3A_26 : vector<64x1024xi32>
    %convert_element_type3A_28 = arith.extui %ge3A_27 : vector<64x1024xi1> to vector<64x1024xi32>
    %convert_element_type3A_29 = arith.sitofp %convert_element_type3A_28 : vector<64x1024xi32> to vector<64x1024xf32>
    %broadcast_in_dim3A = arith.constant 0.000000e+00 : f32
    %broadcast_in_dim3A_30 = vector.broadcast %broadcast_in_dim3A : f32 to vector<64x33xf32>
    %slice3A = vector.extract_strided_slice %dot_general3A_5 {offsets = [0, 0], sizes = [64, 991], strides = [1, 1]} : vector<64x1024xf32> to vector<64x991xf32>
    %concatenate3A = tpu.concatenate %broadcast_in_dim3A_30, %slice3A in 1 : vector<64x33xf32>, vector<64x991xf32> -> vector<64x1024xf32>
    %mul3A = arith.mulf %concatenate3A, %convert_element_type3A_29 : vector<64x1024xf32>
    %broadcast_in_dim3A_31 = arith.constant 0.000000e+00 : f32
    %broadcast_in_dim3A_32 = vector.broadcast %broadcast_in_dim3A_31 : f32 to vector<64x32xf32>
    %slice3A_33 = vector.extract_strided_slice %dot_general3A_5 {offsets = [0, 0], sizes = [64, 992], strides = [1, 1]} : vector<64x1024xf32> to vector<64x992xf32>
    %concatenate3A_34 = tpu.concatenate %broadcast_in_dim3A_32, %slice3A_33 in 1 : vector<64x32xf32>, vector<64x992xf32> -> vector<64x1024xf32>
    %broadcast_in_dim3A_35 = arith.constant 0.000000e+00 : f32
    %broadcast_in_dim3A_36 = vector.broadcast %broadcast_in_dim3A_35 : f32 to vector<64x31xf32>
    %slice3A_37 = vector.extract_strided_slice %dot_general3A_5 {offsets = [0, 0], sizes = [64, 993], strides = [1, 1]} : vector<64x1024xf32> to vector<64x993xf32>
    %concatenate3A_38 = tpu.concatenate %broadcast_in_dim3A_36, %slice3A_37 in 1 : vector<64x31xf32>, vector<64x993xf32> -> vector<64x1024xf32>
    %mul3A_39 = arith.mulf %concatenate3A_38, %convert_element_type3A_25 : vector<64x1024xf32>
    %broadcast_in_dim3A_40 = arith.constant 0.000000e+00 : f32
    %broadcast_in_dim3A_41 = vector.broadcast %broadcast_in_dim3A_40 : f32 to vector<64x1xf32>
    %slice3A_42 = vector.extract_strided_slice %dot_general3A_5 {offsets = [0, 0], sizes = [64, 1023], strides = [1, 1]} : vector<64x1024xf32> to vector<64x1023xf32>
    %concatenate3A_43 = tpu.concatenate %broadcast_in_dim3A_41, %slice3A_42 in 1 : vector<64x1xf32>, vector<64x1023xf32> -> vector<64x1024xf32>
    %mul3A_44 = arith.mulf %concatenate3A_43, %convert_element_type3A_29 : vector<64x1024xf32>
    %slice3A_45 = vector.extract_strided_slice %dot_general3A_5 {offsets = [0, 1], sizes = [64, 1023], strides = [1, 1]} : vector<64x1024xf32> to vector<64x1023xf32>
    %broadcast_in_dim3A_46 = arith.constant 0.000000e+00 : f32
    %broadcast_in_dim3A_47 = vector.broadcast %broadcast_in_dim3A_46 : f32 to vector<64x1xf32>
    %concatenate3A_48 = tpu.concatenate %slice3A_45, %broadcast_in_dim3A_47 in 1 : vector<64x1023xf32>, vector<64x1xf32> -> vector<64x1024xf32>
    %mul3A_49 = arith.mulf %concatenate3A_48, %convert_element_type3A_25 : vector<64x1024xf32>
    %slice3A_50 = vector.extract_strided_slice %dot_general3A_5 {offsets = [0, 31], sizes = [64, 993], strides = [1, 1]} : vector<64x1024xf32> to vector<64x993xf32>
    %broadcast_in_dim3A_51 = arith.constant 0.000000e+00 : f32
    %broadcast_in_dim3A_52 = vector.broadcast %broadcast_in_dim3A_51 : f32 to vector<64x31xf32>
    %concatenate3A_53 = tpu.concatenate %slice3A_50, %broadcast_in_dim3A_52 in 1 : vector<64x993xf32>, vector<64x31xf32> -> vector<64x1024xf32>
    %mul3A_54 = arith.mulf %concatenate3A_53, %convert_element_type3A_29 : vector<64x1024xf32>
    %slice3A_55 = vector.extract_strided_slice %dot_general3A_5 {offsets = [0, 32], sizes = [64, 992], strides = [1, 1]} : vector<64x1024xf32> to vector<64x992xf32>
    %broadcast_in_dim3A_56 = arith.constant 0.000000e+00 : f32
    %broadcast_in_dim3A_57 = vector.broadcast %broadcast_in_dim3A_56 : f32 to vector<64x32xf32>
    %concatenate3A_58 = tpu.concatenate %slice3A_55, %broadcast_in_dim3A_57 in 1 : vector<64x992xf32>, vector<64x32xf32> -> vector<64x1024xf32>
    %slice3A_59 = vector.extract_strided_slice %dot_general3A_5 {offsets = [0, 33], sizes = [64, 991], strides = [1, 1]} : vector<64x1024xf32> to vector<64x991xf32>
    %broadcast_in_dim3A_60 = arith.constant 0.000000e+00 : f32
    %broadcast_in_dim3A_61 = vector.broadcast %broadcast_in_dim3A_60 : f32 to vector<64x33xf32>
    %concatenate3A_62 = tpu.concatenate %slice3A_59, %broadcast_in_dim3A_61 in 1 : vector<64x991xf32>, vector<64x33xf32> -> vector<64x1024xf32>
    %mul3A_63 = arith.mulf %concatenate3A_62, %convert_element_type3A_25 : vector<64x1024xf32>
    %broadcast_in_dim3A_64 = arith.constant 0.000000e+00 : f32
    %broadcast_in_dim3A_65 = vector.broadcast %broadcast_in_dim3A_64 : f32 to vector<64x33xf32>
    %slice3A_66 = vector.extract_strided_slice %get3A_8 {offsets = [0, 0], sizes = [64, 991], strides = [1, 1]} : vector<64x1024xf32> to vector<64x991xf32>
    %concatenate3A_67 = tpu.concatenate %broadcast_in_dim3A_65, %slice3A_66 in 1 : vector<64x33xf32>, vector<64x991xf32> -> vector<64x1024xf32>
    %mul3A_68 = arith.mulf %concatenate3A_67, %convert_element_type3A_29 : vector<64x1024xf32>
    %broadcast_in_dim3A_69 = arith.constant 0.000000e+00 : f32
    %broadcast_in_dim3A_70 = vector.broadcast %broadcast_in_dim3A_69 : f32 to vector<64x32xf32>
    %slice3A_71 = vector.extract_strided_slice %get3A_8 {offsets = [0, 0], sizes = [64, 992], strides = [1, 1]} : vector<64x1024xf32> to vector<64x992xf32>
    %concatenate3A_72 = tpu.concatenate %broadcast_in_dim3A_70, %slice3A_71 in 1 : vector<64x32xf32>, vector<64x992xf32> -> vector<64x1024xf32>
    %broadcast_in_dim3A_73 = arith.constant 0.000000e+00 : f32
    %broadcast_in_dim3A_74 = vector.broadcast %broadcast_in_dim3A_73 : f32 to vector<64x31xf32>
    %slice3A_75 = vector.extract_strided_slice %get3A_8 {offsets = [0, 0], sizes = [64, 993], strides = [1, 1]} : vector<64x1024xf32> to vector<64x993xf32>
    %concatenate3A_76 = tpu.concatenate %broadcast_in_dim3A_74, %slice3A_75 in 1 : vector<64x31xf32>, vector<64x993xf32> -> vector<64x1024xf32>
    %mul3A_77 = arith.mulf %concatenate3A_76, %convert_element_type3A_25 : vector<64x1024xf32>
    %broadcast_in_dim3A_78 = arith.constant 0.000000e+00 : f32
    %broadcast_in_dim3A_79 = vector.broadcast %broadcast_in_dim3A_78 : f32 to vector<64x1xf32>
    %slice3A_80 = vector.extract_strided_slice %get3A_8 {offsets = [0, 0], sizes = [64, 1023], strides = [1, 1]} : vector<64x1024xf32> to vector<64x1023xf32>
    %concatenate3A_81 = tpu.concatenate %broadcast_in_dim3A_79, %slice3A_80 in 1 : vector<64x1xf32>, vector<64x1023xf32> -> vector<64x1024xf32>
    %mul3A_82 = arith.mulf %concatenate3A_81, %convert_element_type3A_29 : vector<64x1024xf32>
    %slice3A_83 = vector.extract_strided_slice %get3A_8 {offsets = [0, 1], sizes = [64, 1023], strides = [1, 1]} : vector<64x1024xf32> to vector<64x1023xf32>
    %broadcast_in_dim3A_84 = arith.constant 0.000000e+00 : f32
    %broadcast_in_dim3A_85 = vector.broadcast %broadcast_in_dim3A_84 : f32 to vector<64x1xf32>
    %concatenate3A_86 = tpu.concatenate %slice3A_83, %broadcast_in_dim3A_85 in 1 : vector<64x1023xf32>, vector<64x1xf32> -> vector<64x1024xf32>
    %mul3A_87 = arith.mulf %concatenate3A_86, %convert_element_type3A_25 : vector<64x1024xf32>
    %slice3A_88 = vector.extract_strided_slice %get3A_8 {offsets = [0, 31], sizes = [64, 993], strides = [1, 1]} : vector<64x1024xf32> to vector<64x993xf32>
    %broadcast_in_dim3A_89 = arith.constant 0.000000e+00 : f32
    %broadcast_in_dim3A_90 = vector.broadcast %broadcast_in_dim3A_89 : f32 to vector<64x31xf32>
    %concatenate3A_91 = tpu.concatenate %slice3A_88, %broadcast_in_dim3A_90 in 1 : vector<64x993xf32>, vector<64x31xf32> -> vector<64x1024xf32>
    %mul3A_92 = arith.mulf %concatenate3A_91, %convert_element_type3A_29 : vector<64x1024xf32>
    %slice3A_93 = vector.extract_strided_slice %get3A_8 {offsets = [0, 32], sizes = [64, 992], strides = [1, 1]} : vector<64x1024xf32> to vector<64x992xf32>
    %broadcast_in_dim3A_94 = arith.constant 0.000000e+00 : f32
    %broadcast_in_dim3A_95 = vector.broadcast %broadcast_in_dim3A_94 : f32 to vector<64x32xf32>
    %concatenate3A_96 = tpu.concatenate %slice3A_93, %broadcast_in_dim3A_95 in 1 : vector<64x992xf32>, vector<64x32xf32> -> vector<64x1024xf32>
    %slice3A_97 = vector.extract_strided_slice %get3A_8 {offsets = [0, 33], sizes = [64, 991], strides = [1, 1]} : vector<64x1024xf32> to vector<64x991xf32>
    %broadcast_in_dim3A_98 = arith.constant 0.000000e+00 : f32
    %broadcast_in_dim3A_99 = vector.broadcast %broadcast_in_dim3A_98 : f32 to vector<64x33xf32>
    %concatenate3A_100 = tpu.concatenate %slice3A_97, %broadcast_in_dim3A_99 in 1 : vector<64x991xf32>, vector<64x33xf32> -> vector<64x1024xf32>
    %mul3A_101 = arith.mulf %concatenate3A_100, %convert_element_type3A_25 : vector<64x1024xf32>
    %broadcast_in_dim3A_102 = arith.constant 0.000000e+00 : f32
    %broadcast_in_dim3A_103 = vector.broadcast %broadcast_in_dim3A_102 : f32 to vector<64x1024xf32>
    %get3A_104 = arith.constant 0 : index
    %get3A_105 = memref.load %arg4[%get3A_104] : memref<2xf32, #tpu.memory_space<smem>>
    %add3A_106 = vector.broadcast %get3A_105 : f32 to vector<64x1024xf32>
    %add3A_107 = arith.addf %broadcast_in_dim3A_103, %add3A_106 : vector<64x1024xf32>
    %get3A_108 = arith.constant 0 : index
    %get3A_109 = arith.constant 0 : index
    %get3A_110 = arith.constant 0 : index
    %get3A_111 = arith.constant 0 : index
    %get3A_112 = memref.load %arg3[%get3A_108, %get3A_109, %get3A_110, %get3A_111] : memref<2x2x3x3xf32, #tpu.memory_space<smem>>
    %mul3A_113 = vector.broadcast %get3A_112 : f32 to vector<64x1024xf32>
    %mul3A_114 = arith.mulf %mul3A_113, %mul3A : vector<64x1024xf32>
    %add3A_115 = arith.addf %add3A_107, %mul3A_114 : vector<64x1024xf32>
    %get3A_116 = arith.constant 0 : index
    %get3A_117 = arith.constant 0 : index
    %get3A_118 = arith.constant 0 : index
    %get3A_119 = arith.constant 1 : index
    %get3A_120 = memref.load %arg3[%get3A_116, %get3A_117, %get3A_118, %get3A_119] : memref<2x2x3x3xf32, #tpu.memory_space<smem>>
    %mul3A_121 = vector.broadcast %get3A_120 : f32 to vector<64x1024xf32>
    %mul3A_122 = arith.mulf %mul3A_121, %concatenate3A_34 : vector<64x1024xf32>
    %add3A_123 = arith.addf %add3A_115, %mul3A_122 : vector<64x1024xf32>
    %get3A_124 = arith.constant 0 : index
    %get3A_125 = arith.constant 0 : index
    %get3A_126 = arith.constant 0 : index
    %get3A_127 = arith.constant 2 : index
    %get3A_128 = memref.load %arg3[%get3A_124, %get3A_125, %get3A_126, %get3A_127] : memref<2x2x3x3xf32, #tpu.memory_space<smem>>
    %mul3A_129 = vector.broadcast %get3A_128 : f32 to vector<64x1024xf32>
    %mul3A_130 = arith.mulf %mul3A_129, %mul3A_39 : vector<64x1024xf32>
    %add3A_131 = arith.addf %add3A_123, %mul3A_130 : vector<64x1024xf32>
    %get3A_132 = arith.constant 0 : index
    %get3A_133 = arith.constant 0 : index
    %get3A_134 = arith.constant 1 : index
    %get3A_135 = arith.constant 0 : index
    %get3A_136 = memref.load %arg3[%get3A_132, %get3A_133, %get3A_134, %get3A_135] : memref<2x2x3x3xf32, #tpu.memory_space<smem>>
    %mul3A_137 = vector.broadcast %get3A_136 : f32 to vector<64x1024xf32>
    %mul3A_138 = arith.mulf %mul3A_137, %mul3A_44 : vector<64x1024xf32>
    %add3A_139 = arith.addf %add3A_131, %mul3A_138 : vector<64x1024xf32>
    %get3A_140 = arith.constant 0 : index
    %get3A_141 = arith.constant 0 : index
    %get3A_142 = arith.constant 1 : index
    %get3A_143 = arith.constant 1 : index
    %get3A_144 = memref.load %arg3[%get3A_140, %get3A_141, %get3A_142, %get3A_143] : memref<2x2x3x3xf32, #tpu.memory_space<smem>>
    %mul3A_145 = vector.broadcast %get3A_144 : f32 to vector<64x1024xf32>
    %mul3A_146 = arith.mulf %mul3A_145, %dot_general3A_5 : vector<64x1024xf32>
    %add3A_147 = arith.addf %add3A_139, %mul3A_146 : vector<64x1024xf32>
    %get3A_148 = arith.constant 0 : index
    %get3A_149 = arith.constant 0 : index
    %get3A_150 = arith.constant 1 : index
    %get3A_151 = arith.constant 2 : index
    %get3A_152 = memref.load %arg3[%get3A_148, %get3A_149, %get3A_150, %get3A_151] : memref<2x2x3x3xf32, #tpu.memory_space<smem>>
    %mul3A_153 = vector.broadcast %get3A_152 : f32 to vector<64x1024xf32>
    %mul3A_154 = arith.mulf %mul3A_153, %mul3A_49 : vector<64x1024xf32>
    %add3A_155 = arith.addf %add3A_147, %mul3A_154 : vector<64x1024xf32>
    %get3A_156 = arith.constant 0 : index
    %get3A_157 = arith.constant 0 : index
    %get3A_158 = arith.constant 2 : index
    %get3A_159 = arith.constant 0 : index
    %get3A_160 = memref.load %arg3[%get3A_156, %get3A_157, %get3A_158, %get3A_159] : memref<2x2x3x3xf32, #tpu.memory_space<smem>>
    %mul3A_161 = vector.broadcast %get3A_160 : f32 to vector<64x1024xf32>
    %mul3A_162 = arith.mulf %mul3A_161, %mul3A_54 : vector<64x1024xf32>
    %add3A_163 = arith.addf %add3A_155, %mul3A_162 : vector<64x1024xf32>
    %get3A_164 = arith.constant 0 : index
    %get3A_165 = arith.constant 0 : index
    %get3A_166 = arith.constant 2 : index
    %get3A_167 = arith.constant 1 : index
    %get3A_168 = memref.load %arg3[%get3A_164, %get3A_165, %get3A_166, %get3A_167] : memref<2x2x3x3xf32, #tpu.memory_space<smem>>
    %mul3A_169 = vector.broadcast %get3A_168 : f32 to vector<64x1024xf32>
    %mul3A_170 = arith.mulf %mul3A_169, %concatenate3A_58 : vector<64x1024xf32>
    %add3A_171 = arith.addf %add3A_163, %mul3A_170 : vector<64x1024xf32>
    %get3A_172 = arith.constant 0 : index
    %get3A_173 = arith.constant 0 : index
    %get3A_174 = arith.constant 2 : index
    %get3A_175 = arith.constant 2 : index
    %get3A_176 = memref.load %arg3[%get3A_172, %get3A_173, %get3A_174, %get3A_175] : memref<2x2x3x3xf32, #tpu.memory_space<smem>>
    %mul3A_177 = vector.broadcast %get3A_176 : f32 to vector<64x1024xf32>
    %mul3A_178 = arith.mulf %mul3A_177, %mul3A_63 : vector<64x1024xf32>
    %add3A_179 = arith.addf %add3A_171, %mul3A_178 : vector<64x1024xf32>
    %get3A_180 = arith.constant 0 : index
    %get3A_181 = arith.constant 1 : index
    %get3A_182 = arith.constant 0 : index
    %get3A_183 = arith.constant 0 : index
    %get3A_184 = memref.load %arg3[%get3A_180, %get3A_181, %get3A_182, %get3A_183] : memref<2x2x3x3xf32, #tpu.memory_space<smem>>
    %mul3A_185 = vector.broadcast %get3A_184 : f32 to vector<64x1024xf32>
    %mul3A_186 = arith.mulf %mul3A_185, %mul3A_68 : vector<64x1024xf32>
    %add3A_187 = arith.addf %add3A_179, %mul3A_186 : vector<64x1024xf32>
    %get3A_188 = arith.constant 0 : index
    %get3A_189 = arith.constant 1 : index
    %get3A_190 = arith.constant 0 : index
    %get3A_191 = arith.constant 1 : index
    %get3A_192 = memref.load %arg3[%get3A_188, %get3A_189, %get3A_190, %get3A_191] : memref<2x2x3x3xf32, #tpu.memory_space<smem>>
    %mul3A_193 = vector.broadcast %get3A_192 : f32 to vector<64x1024xf32>
    %mul3A_194 = arith.mulf %mul3A_193, %concatenate3A_72 : vector<64x1024xf32>
    %add3A_195 = arith.addf %add3A_187, %mul3A_194 : vector<64x1024xf32>
    %get3A_196 = arith.constant 0 : index
    %get3A_197 = arith.constant 1 : index
    %get3A_198 = arith.constant 0 : index
    %get3A_199 = arith.constant 2 : index
    %get3A_200 = memref.load %arg3[%get3A_196, %get3A_197, %get3A_198, %get3A_199] : memref<2x2x3x3xf32, #tpu.memory_space<smem>>
    %mul3A_201 = vector.broadcast %get3A_200 : f32 to vector<64x1024xf32>
    %mul3A_202 = arith.mulf %mul3A_201, %mul3A_77 : vector<64x1024xf32>
    %add3A_203 = arith.addf %add3A_195, %mul3A_202 : vector<64x1024xf32>
    %get3A_204 = arith.constant 0 : index
    %get3A_205 = arith.constant 1 : index
    %get3A_206 = arith.constant 1 : index
    %get3A_207 = arith.constant 0 : index
    %get3A_208 = memref.load %arg3[%get3A_204, %get3A_205, %get3A_206, %get3A_207] : memref<2x2x3x3xf32, #tpu.memory_space<smem>>
    %mul3A_209 = vector.broadcast %get3A_208 : f32 to vector<64x1024xf32>
    %mul3A_210 = arith.mulf %mul3A_209, %mul3A_82 : vector<64x1024xf32>
    %add3A_211 = arith.addf %add3A_203, %mul3A_210 : vector<64x1024xf32>
    %get3A_212 = arith.constant 0 : index
    %get3A_213 = arith.constant 1 : index
    %get3A_214 = arith.constant 1 : index
    %get3A_215 = arith.constant 1 : index
    %get3A_216 = memref.load %arg3[%get3A_212, %get3A_213, %get3A_214, %get3A_215] : memref<2x2x3x3xf32, #tpu.memory_space<smem>>
    %mul3A_217 = vector.broadcast %get3A_216 : f32 to vector<64x1024xf32>
    %mul3A_218 = arith.mulf %mul3A_217, %get3A_8 : vector<64x1024xf32>
    %add3A_219 = arith.addf %add3A_211, %mul3A_218 : vector<64x1024xf32>
    %get3A_220 = arith.constant 0 : index
    %get3A_221 = arith.constant 1 : index
    %get3A_222 = arith.constant 1 : index
    %get3A_223 = arith.constant 2 : index
    %get3A_224 = memref.load %arg3[%get3A_220, %get3A_221, %get3A_222, %get3A_223] : memref<2x2x3x3xf32, #tpu.memory_space<smem>>
    %mul3A_225 = vector.broadcast %get3A_224 : f32 to vector<64x1024xf32>
    %mul3A_226 = arith.mulf %mul3A_225, %mul3A_87 : vector<64x1024xf32>
    %add3A_227 = arith.addf %add3A_219, %mul3A_226 : vector<64x1024xf32>
    %get3A_228 = arith.constant 0 : index
    %get3A_229 = arith.constant 1 : index
    %get3A_230 = arith.constant 2 : index
    %get3A_231 = arith.constant 0 : index
    %get3A_232 = memref.load %arg3[%get3A_228, %get3A_229, %get3A_230, %get3A_231] : memref<2x2x3x3xf32, #tpu.memory_space<smem>>
    %mul3A_233 = vector.broadcast %get3A_232 : f32 to vector<64x1024xf32>
    %mul3A_234 = arith.mulf %mul3A_233, %mul3A_92 : vector<64x1024xf32>
    %add3A_235 = arith.addf %add3A_227, %mul3A_234 : vector<64x1024xf32>
    %get3A_236 = arith.constant 0 : index
    %get3A_237 = arith.constant 1 : index
    %get3A_238 = arith.constant 2 : index
    %get3A_239 = arith.constant 1 : index
    %get3A_240 = memref.load %arg3[%get3A_236, %get3A_237, %get3A_238, %get3A_239] : memref<2x2x3x3xf32, #tpu.memory_space<smem>>
    %mul3A_241 = vector.broadcast %get3A_240 : f32 to vector<64x1024xf32>
    %mul3A_242 = arith.mulf %mul3A_241, %concatenate3A_96 : vector<64x1024xf32>
    %add3A_243 = arith.addf %add3A_235, %mul3A_242 : vector<64x1024xf32>
    %get3A_244 = arith.constant 0 : index
    %get3A_245 = arith.constant 1 : index
    %get3A_246 = arith.constant 2 : index
    %get3A_247 = arith.constant 2 : index
    %get3A_248 = memref.load %arg3[%get3A_244, %get3A_245, %get3A_246, %get3A_247] : memref<2x2x3x3xf32, #tpu.memory_space<smem>>
    %mul3A_249 = vector.broadcast %get3A_248 : f32 to vector<64x1024xf32>
    %mul3A_250 = arith.mulf %mul3A_249, %mul3A_101 : vector<64x1024xf32>
    %add3A_251 = arith.addf %add3A_243, %mul3A_250 : vector<64x1024xf32>
    %max3A = arith.constant 0.000000e+00 : f32
    %max3A_252 = vector.broadcast %max3A : f32 to vector<64x1024xf32>
    %max3A_253 = arith.maximumf %add3A_251, %max3A_252 : vector<64x1024xf32>
    %broadcast_in_dim3A_254 = arith.constant 0.000000e+00 : f32
    %broadcast_in_dim3A_255 = vector.broadcast %broadcast_in_dim3A_254 : f32 to vector<64x1024xf32>
    %get3A_256 = arith.constant 1 : index
    %get3A_257 = memref.load %arg4[%get3A_256] : memref<2xf32, #tpu.memory_space<smem>>
    %add3A_258 = vector.broadcast %get3A_257 : f32 to vector<64x1024xf32>
    %add3A_259 = arith.addf %broadcast_in_dim3A_255, %add3A_258 : vector<64x1024xf32>
    %get3A_260 = arith.constant 1 : index
    %get3A_261 = arith.constant 0 : index
    %get3A_262 = arith.constant 0 : index
    %get3A_263 = arith.constant 0 : index
    %get3A_264 = memref.load %arg3[%get3A_260, %get3A_261, %get3A_262, %get3A_263] : memref<2x2x3x3xf32, #tpu.memory_space<smem>>
    %mul3A_265 = vector.broadcast %get3A_264 : f32 to vector<64x1024xf32>
    %mul3A_266 = arith.mulf %mul3A_265, %mul3A : vector<64x1024xf32>
    %add3A_267 = arith.addf %add3A_259, %mul3A_266 : vector<64x1024xf32>
    %get3A_268 = arith.constant 1 : index
    %get3A_269 = arith.constant 0 : index
    %get3A_270 = arith.constant 0 : index
    %get3A_271 = arith.constant 1 : index
    %get3A_272 = memref.load %arg3[%get3A_268, %get3A_269, %get3A_270, %get3A_271] : memref<2x2x3x3xf32, #tpu.memory_space<smem>>
    %mul3A_273 = vector.broadcast %get3A_272 : f32 to vector<64x1024xf32>
    %mul3A_274 = arith.mulf %mul3A_273, %concatenate3A_34 : vector<64x1024xf32>
    %add3A_275 = arith.addf %add3A_267, %mul3A_274 : vector<64x1024xf32>
    %get3A_276 = arith.constant 1 : index
    %get3A_277 = arith.constant 0 : index
    %get3A_278 = arith.constant 0 : index
    %get3A_279 = arith.constant 2 : index
    %get3A_280 = memref.load %arg3[%get3A_276, %get3A_277, %get3A_278, %get3A_279] : memref<2x2x3x3xf32, #tpu.memory_space<smem>>
    %mul3A_281 = vector.broadcast %get3A_280 : f32 to vector<64x1024xf32>
    %mul3A_282 = arith.mulf %mul3A_281, %mul3A_39 : vector<64x1024xf32>
    %add3A_283 = arith.addf %add3A_275, %mul3A_282 : vector<64x1024xf32>
    %get3A_284 = arith.constant 1 : index
    %get3A_285 = arith.constant 0 : index
    %get3A_286 = arith.constant 1 : index
    %get3A_287 = arith.constant 0 : index
    %get3A_288 = memref.load %arg3[%get3A_284, %get3A_285, %get3A_286, %get3A_287] : memref<2x2x3x3xf32, #tpu.memory_space<smem>>
    %mul3A_289 = vector.broadcast %get3A_288 : f32 to vector<64x1024xf32>
    %mul3A_290 = arith.mulf %mul3A_289, %mul3A_44 : vector<64x1024xf32>
    %add3A_291 = arith.addf %add3A_283, %mul3A_290 : vector<64x1024xf32>
    %get3A_292 = arith.constant 1 : index
    %get3A_293 = arith.constant 0 : index
    %get3A_294 = arith.constant 1 : index
    %get3A_295 = arith.constant 1 : index
    %get3A_296 = memref.load %arg3[%get3A_292, %get3A_293, %get3A_294, %get3A_295] : memref<2x2x3x3xf32, #tpu.memory_space<smem>>
    %mul3A_297 = vector.broadcast %get3A_296 : f32 to vector<64x1024xf32>
    %mul3A_298 = arith.mulf %mul3A_297, %dot_general3A_5 : vector<64x1024xf32>
    %add3A_299 = arith.addf %add3A_291, %mul3A_298 : vector<64x1024xf32>
    %get3A_300 = arith.constant 1 : index
    %get3A_301 = arith.constant 0 : index
    %get3A_302 = arith.constant 1 : index
    %get3A_303 = arith.constant 2 : index
    %get3A_304 = memref.load %arg3[%get3A_300, %get3A_301, %get3A_302, %get3A_303] : memref<2x2x3x3xf32, #tpu.memory_space<smem>>
    %mul3A_305 = vector.broadcast %get3A_304 : f32 to vector<64x1024xf32>
    %mul3A_306 = arith.mulf %mul3A_305, %mul3A_49 : vector<64x1024xf32>
    %add3A_307 = arith.addf %add3A_299, %mul3A_306 : vector<64x1024xf32>
    %get3A_308 = arith.constant 1 : index
    %get3A_309 = arith.constant 0 : index
    %get3A_310 = arith.constant 2 : index
    %get3A_311 = arith.constant 0 : index
    %get3A_312 = memref.load %arg3[%get3A_308, %get3A_309, %get3A_310, %get3A_311] : memref<2x2x3x3xf32, #tpu.memory_space<smem>>
    %mul3A_313 = vector.broadcast %get3A_312 : f32 to vector<64x1024xf32>
    %mul3A_314 = arith.mulf %mul3A_313, %mul3A_54 : vector<64x1024xf32>
    %add3A_315 = arith.addf %add3A_307, %mul3A_314 : vector<64x1024xf32>
    %get3A_316 = arith.constant 1 : index
    %get3A_317 = arith.constant 0 : index
    %get3A_318 = arith.constant 2 : index
    %get3A_319 = arith.constant 1 : index
    %get3A_320 = memref.load %arg3[%get3A_316, %get3A_317, %get3A_318, %get3A_319] : memref<2x2x3x3xf32, #tpu.memory_space<smem>>
    %mul3A_321 = vector.broadcast %get3A_320 : f32 to vector<64x1024xf32>
    %mul3A_322 = arith.mulf %mul3A_321, %concatenate3A_58 : vector<64x1024xf32>
    %add3A_323 = arith.addf %add3A_315, %mul3A_322 : vector<64x1024xf32>
    %get3A_324 = arith.constant 1 : index
    %get3A_325 = arith.constant 0 : index
    %get3A_326 = arith.constant 2 : index
    %get3A_327 = arith.constant 2 : index
    %get3A_328 = memref.load %arg3[%get3A_324, %get3A_325, %get3A_326, %get3A_327] : memref<2x2x3x3xf32, #tpu.memory_space<smem>>
    %mul3A_329 = vector.broadcast %get3A_328 : f32 to vector<64x1024xf32>
    %mul3A_330 = arith.mulf %mul3A_329, %mul3A_63 : vector<64x1024xf32>
    %add3A_331 = arith.addf %add3A_323, %mul3A_330 : vector<64x1024xf32>
    %get3A_332 = arith.constant 1 : index
    %get3A_333 = arith.constant 1 : index
    %get3A_334 = arith.constant 0 : index
    %get3A_335 = arith.constant 0 : index
    %get3A_336 = memref.load %arg3[%get3A_332, %get3A_333, %get3A_334, %get3A_335] : memref<2x2x3x3xf32, #tpu.memory_space<smem>>
    %mul3A_337 = vector.broadcast %get3A_336 : f32 to vector<64x1024xf32>
    %mul3A_338 = arith.mulf %mul3A_337, %mul3A_68 : vector<64x1024xf32>
    %add3A_339 = arith.addf %add3A_331, %mul3A_338 : vector<64x1024xf32>
    %get3A_340 = arith.constant 1 : index
    %get3A_341 = arith.constant 1 : index
    %get3A_342 = arith.constant 0 : index
    %get3A_343 = arith.constant 1 : index
    %get3A_344 = memref.load %arg3[%get3A_340, %get3A_341, %get3A_342, %get3A_343] : memref<2x2x3x3xf32, #tpu.memory_space<smem>>
    %mul3A_345 = vector.broadcast %get3A_344 : f32 to vector<64x1024xf32>
    %mul3A_346 = arith.mulf %mul3A_345, %concatenate3A_72 : vector<64x1024xf32>
    %add3A_347 = arith.addf %add3A_339, %mul3A_346 : vector<64x1024xf32>
    %get3A_348 = arith.constant 1 : index
    %get3A_349 = arith.constant 1 : index
    %get3A_350 = arith.constant 0 : index
    %get3A_351 = arith.constant 2 : index
    %get3A_352 = memref.load %arg3[%get3A_348, %get3A_349, %get3A_350, %get3A_351] : memref<2x2x3x3xf32, #tpu.memory_space<smem>>
    %mul3A_353 = vector.broadcast %get3A_352 : f32 to vector<64x1024xf32>
    %mul3A_354 = arith.mulf %mul3A_353, %mul3A_77 : vector<64x1024xf32>
    %add3A_355 = arith.addf %add3A_347, %mul3A_354 : vector<64x1024xf32>
    %get3A_356 = arith.constant 1 : index
    %get3A_357 = arith.constant 1 : index
    %get3A_358 = arith.constant 1 : index
    %get3A_359 = arith.constant 0 : index
    %get3A_360 = memref.load %arg3[%get3A_356, %get3A_357, %get3A_358, %get3A_359] : memref<2x2x3x3xf32, #tpu.memory_space<smem>>
    %mul3A_361 = vector.broadcast %get3A_360 : f32 to vector<64x1024xf32>
    %mul3A_362 = arith.mulf %mul3A_361, %mul3A_82 : vector<64x1024xf32>
    %add3A_363 = arith.addf %add3A_355, %mul3A_362 : vector<64x1024xf32>
    %get3A_364 = arith.constant 1 : index
    %get3A_365 = arith.constant 1 : index
    %get3A_366 = arith.constant 1 : index
    %get3A_367 = arith.constant 1 : index
    %get3A_368 = memref.load %arg3[%get3A_364, %get3A_365, %get3A_366, %get3A_367] : memref<2x2x3x3xf32, #tpu.memory_space<smem>>
    %mul3A_369 = vector.broadcast %get3A_368 : f32 to vector<64x1024xf32>
    %mul3A_370 = arith.mulf %mul3A_369, %get3A_8 : vector<64x1024xf32>
    %add3A_371 = arith.addf %add3A_363, %mul3A_370 : vector<64x1024xf32>
    %get3A_372 = arith.constant 1 : index
    %get3A_373 = arith.constant 1 : index
    %get3A_374 = arith.constant 1 : index
    %get3A_375 = arith.constant 2 : index
    %get3A_376 = memref.load %arg3[%get3A_372, %get3A_373, %get3A_374, %get3A_375] : memref<2x2x3x3xf32, #tpu.memory_space<smem>>
    %mul3A_377 = vector.broadcast %get3A_376 : f32 to vector<64x1024xf32>
    %mul3A_378 = arith.mulf %mul3A_377, %mul3A_87 : vector<64x1024xf32>
    %add3A_379 = arith.addf %add3A_371, %mul3A_378 : vector<64x1024xf32>
    %get3A_380 = arith.constant 1 : index
    %get3A_381 = arith.constant 1 : index
    %get3A_382 = arith.constant 2 : index
    %get3A_383 = arith.constant 0 : index
    %get3A_384 = memref.load %arg3[%get3A_380, %get3A_381, %get3A_382, %get3A_383] : memref<2x2x3x3xf32, #tpu.memory_space<smem>>
    %mul3A_385 = vector.broadcast %get3A_384 : f32 to vector<64x1024xf32>
    %mul3A_386 = arith.mulf %mul3A_385, %mul3A_92 : vector<64x1024xf32>
    %add3A_387 = arith.addf %add3A_379, %mul3A_386 : vector<64x1024xf32>
    %get3A_388 = arith.constant 1 : index
    %get3A_389 = arith.constant 1 : index
    %get3A_390 = arith.constant 2 : index
    %get3A_391 = arith.constant 1 : index
    %get3A_392 = memref.load %arg3[%get3A_388, %get3A_389, %get3A_390, %get3A_391] : memref<2x2x3x3xf32, #tpu.memory_space<smem>>
    %mul3A_393 = vector.broadcast %get3A_392 : f32 to vector<64x1024xf32>
    %mul3A_394 = arith.mulf %mul3A_393, %concatenate3A_96 : vector<64x1024xf32>
    %add3A_395 = arith.addf %add3A_387, %mul3A_394 : vector<64x1024xf32>
    %get3A_396 = arith.constant 1 : index
    %get3A_397 = arith.constant 1 : index
    %get3A_398 = arith.constant 2 : index
    %get3A_399 = arith.constant 2 : index
    %get3A_400 = memref.load %arg3[%get3A_396, %get3A_397, %get3A_398, %get3A_399] : memref<2x2x3x3xf32, #tpu.memory_space<smem>>
    %mul3A_401 = vector.broadcast %get3A_400 : f32 to vector<64x1024xf32>
    %mul3A_402 = arith.mulf %mul3A_401, %mul3A_101 : vector<64x1024xf32>
    %add3A_403 = arith.addf %add3A_395, %mul3A_402 : vector<64x1024xf32>
    %max3A_404 = arith.constant 0.000000e+00 : f32
    %max3A_405 = vector.broadcast %max3A_404 : f32 to vector<64x1024xf32>
    %max3A_406 = arith.maximumf %add3A_403, %max3A_405 : vector<64x1024xf32>
    %broadcast_in_dim3A_407 = arith.constant 0.000000e+00 : f32
    %broadcast_in_dim3A_408 = vector.broadcast %broadcast_in_dim3A_407 : f32 to vector<64x33xf32>
    %slice3A_409 = vector.extract_strided_slice %max3A_253 {offsets = [0, 0], sizes = [64, 991], strides = [1, 1]} : vector<64x1024xf32> to vector<64x991xf32>
    %concatenate3A_410 = tpu.concatenate %broadcast_in_dim3A_408, %slice3A_409 in 1 : vector<64x33xf32>, vector<64x991xf32> -> vector<64x1024xf32>
    %mul3A_411 = arith.mulf %concatenate3A_410, %convert_element_type3A_29 : vector<64x1024xf32>
    %broadcast_in_dim3A_412 = arith.constant 0.000000e+00 : f32
    %broadcast_in_dim3A_413 = vector.broadcast %broadcast_in_dim3A_412 : f32 to vector<64x32xf32>
    %slice3A_414 = vector.extract_strided_slice %max3A_253 {offsets = [0, 0], sizes = [64, 992], strides = [1, 1]} : vector<64x1024xf32> to vector<64x992xf32>
    %concatenate3A_415 = tpu.concatenate %broadcast_in_dim3A_413, %slice3A_414 in 1 : vector<64x32xf32>, vector<64x992xf32> -> vector<64x1024xf32>
    %broadcast_in_dim3A_416 = arith.constant 0.000000e+00 : f32
    %broadcast_in_dim3A_417 = vector.broadcast %broadcast_in_dim3A_416 : f32 to vector<64x31xf32>
    %slice3A_418 = vector.extract_strided_slice %max3A_253 {offsets = [0, 0], sizes = [64, 993], strides = [1, 1]} : vector<64x1024xf32> to vector<64x993xf32>
    %concatenate3A_419 = tpu.concatenate %broadcast_in_dim3A_417, %slice3A_418 in 1 : vector<64x31xf32>, vector<64x993xf32> -> vector<64x1024xf32>
    %mul3A_420 = arith.mulf %concatenate3A_419, %convert_element_type3A_25 : vector<64x1024xf32>
    %broadcast_in_dim3A_421 = arith.constant 0.000000e+00 : f32
    %broadcast_in_dim3A_422 = vector.broadcast %broadcast_in_dim3A_421 : f32 to vector<64x1xf32>
    %slice3A_423 = vector.extract_strided_slice %max3A_253 {offsets = [0, 0], sizes = [64, 1023], strides = [1, 1]} : vector<64x1024xf32> to vector<64x1023xf32>
    %concatenate3A_424 = tpu.concatenate %broadcast_in_dim3A_422, %slice3A_423 in 1 : vector<64x1xf32>, vector<64x1023xf32> -> vector<64x1024xf32>
    %mul3A_425 = arith.mulf %concatenate3A_424, %convert_element_type3A_29 : vector<64x1024xf32>
    %slice3A_426 = vector.extract_strided_slice %max3A_253 {offsets = [0, 1], sizes = [64, 1023], strides = [1, 1]} : vector<64x1024xf32> to vector<64x1023xf32>
    %broadcast_in_dim3A_427 = arith.constant 0.000000e+00 : f32
    %broadcast_in_dim3A_428 = vector.broadcast %broadcast_in_dim3A_427 : f32 to vector<64x1xf32>
    %concatenate3A_429 = tpu.concatenate %slice3A_426, %broadcast_in_dim3A_428 in 1 : vector<64x1023xf32>, vector<64x1xf32> -> vector<64x1024xf32>
    %mul3A_430 = arith.mulf %concatenate3A_429, %convert_element_type3A_25 : vector<64x1024xf32>
    %slice3A_431 = vector.extract_strided_slice %max3A_253 {offsets = [0, 31], sizes = [64, 993], strides = [1, 1]} : vector<64x1024xf32> to vector<64x993xf32>
    %broadcast_in_dim3A_432 = arith.constant 0.000000e+00 : f32
    %broadcast_in_dim3A_433 = vector.broadcast %broadcast_in_dim3A_432 : f32 to vector<64x31xf32>
    %concatenate3A_434 = tpu.concatenate %slice3A_431, %broadcast_in_dim3A_433 in 1 : vector<64x993xf32>, vector<64x31xf32> -> vector<64x1024xf32>
    %mul3A_435 = arith.mulf %concatenate3A_434, %convert_element_type3A_29 : vector<64x1024xf32>
    %slice3A_436 = vector.extract_strided_slice %max3A_253 {offsets = [0, 32], sizes = [64, 992], strides = [1, 1]} : vector<64x1024xf32> to vector<64x992xf32>
    %broadcast_in_dim3A_437 = arith.constant 0.000000e+00 : f32
    %broadcast_in_dim3A_438 = vector.broadcast %broadcast_in_dim3A_437 : f32 to vector<64x32xf32>
    %concatenate3A_439 = tpu.concatenate %slice3A_436, %broadcast_in_dim3A_438 in 1 : vector<64x992xf32>, vector<64x32xf32> -> vector<64x1024xf32>
    %slice3A_440 = vector.extract_strided_slice %max3A_253 {offsets = [0, 33], sizes = [64, 991], strides = [1, 1]} : vector<64x1024xf32> to vector<64x991xf32>
    %broadcast_in_dim3A_441 = arith.constant 0.000000e+00 : f32
    %broadcast_in_dim3A_442 = vector.broadcast %broadcast_in_dim3A_441 : f32 to vector<64x33xf32>
    %concatenate3A_443 = tpu.concatenate %slice3A_440, %broadcast_in_dim3A_442 in 1 : vector<64x991xf32>, vector<64x33xf32> -> vector<64x1024xf32>
    %mul3A_444 = arith.mulf %concatenate3A_443, %convert_element_type3A_25 : vector<64x1024xf32>
    %broadcast_in_dim3A_445 = arith.constant 0.000000e+00 : f32
    %broadcast_in_dim3A_446 = vector.broadcast %broadcast_in_dim3A_445 : f32 to vector<64x33xf32>
    %slice3A_447 = vector.extract_strided_slice %max3A_406 {offsets = [0, 0], sizes = [64, 991], strides = [1, 1]} : vector<64x1024xf32> to vector<64x991xf32>
    %concatenate3A_448 = tpu.concatenate %broadcast_in_dim3A_446, %slice3A_447 in 1 : vector<64x33xf32>, vector<64x991xf32> -> vector<64x1024xf32>
    %mul3A_449 = arith.mulf %concatenate3A_448, %convert_element_type3A_29 : vector<64x1024xf32>
    %broadcast_in_dim3A_450 = arith.constant 0.000000e+00 : f32
    %broadcast_in_dim3A_451 = vector.broadcast %broadcast_in_dim3A_450 : f32 to vector<64x32xf32>
    %slice3A_452 = vector.extract_strided_slice %max3A_406 {offsets = [0, 0], sizes = [64, 992], strides = [1, 1]} : vector<64x1024xf32> to vector<64x992xf32>
    %concatenate3A_453 = tpu.concatenate %broadcast_in_dim3A_451, %slice3A_452 in 1 : vector<64x32xf32>, vector<64x992xf32> -> vector<64x1024xf32>
    %broadcast_in_dim3A_454 = arith.constant 0.000000e+00 : f32
    %broadcast_in_dim3A_455 = vector.broadcast %broadcast_in_dim3A_454 : f32 to vector<64x31xf32>
    %slice3A_456 = vector.extract_strided_slice %max3A_406 {offsets = [0, 0], sizes = [64, 993], strides = [1, 1]} : vector<64x1024xf32> to vector<64x993xf32>
    %concatenate3A_457 = tpu.concatenate %broadcast_in_dim3A_455, %slice3A_456 in 1 : vector<64x31xf32>, vector<64x993xf32> -> vector<64x1024xf32>
    %mul3A_458 = arith.mulf %concatenate3A_457, %convert_element_type3A_25 : vector<64x1024xf32>
    %broadcast_in_dim3A_459 = arith.constant 0.000000e+00 : f32
    %broadcast_in_dim3A_460 = vector.broadcast %broadcast_in_dim3A_459 : f32 to vector<64x1xf32>
    %slice3A_461 = vector.extract_strided_slice %max3A_406 {offsets = [0, 0], sizes = [64, 1023], strides = [1, 1]} : vector<64x1024xf32> to vector<64x1023xf32>
    %concatenate3A_462 = tpu.concatenate %broadcast_in_dim3A_460, %slice3A_461 in 1 : vector<64x1xf32>, vector<64x1023xf32> -> vector<64x1024xf32>
    %mul3A_463 = arith.mulf %concatenate3A_462, %convert_element_type3A_29 : vector<64x1024xf32>
    %slice3A_464 = vector.extract_strided_slice %max3A_406 {offsets = [0, 1], sizes = [64, 1023], strides = [1, 1]} : vector<64x1024xf32> to vector<64x1023xf32>
    %broadcast_in_dim3A_465 = arith.constant 0.000000e+00 : f32
    %broadcast_in_dim3A_466 = vector.broadcast %broadcast_in_dim3A_465 : f32 to vector<64x1xf32>
    %concatenate3A_467 = tpu.concatenate %slice3A_464, %broadcast_in_dim3A_466 in 1 : vector<64x1023xf32>, vector<64x1xf32> -> vector<64x1024xf32>
    %mul3A_468 = arith.mulf %concatenate3A_467, %convert_element_type3A_25 : vector<64x1024xf32>
    %slice3A_469 = vector.extract_strided_slice %max3A_406 {offsets = [0, 31], sizes = [64, 993], strides = [1, 1]} : vector<64x1024xf32> to vector<64x993xf32>
    %broadcast_in_dim3A_470 = arith.constant 0.000000e+00 : f32
    %broadcast_in_dim3A_471 = vector.broadcast %broadcast_in_dim3A_470 : f32 to vector<64x31xf32>
    %concatenate3A_472 = tpu.concatenate %slice3A_469, %broadcast_in_dim3A_471 in 1 : vector<64x993xf32>, vector<64x31xf32> -> vector<64x1024xf32>
    %mul3A_473 = arith.mulf %concatenate3A_472, %convert_element_type3A_29 : vector<64x1024xf32>
    %slice3A_474 = vector.extract_strided_slice %max3A_406 {offsets = [0, 32], sizes = [64, 992], strides = [1, 1]} : vector<64x1024xf32> to vector<64x992xf32>
    %broadcast_in_dim3A_475 = arith.constant 0.000000e+00 : f32
    %broadcast_in_dim3A_476 = vector.broadcast %broadcast_in_dim3A_475 : f32 to vector<64x32xf32>
    %concatenate3A_477 = tpu.concatenate %slice3A_474, %broadcast_in_dim3A_476 in 1 : vector<64x992xf32>, vector<64x32xf32> -> vector<64x1024xf32>
    %slice3A_478 = vector.extract_strided_slice %max3A_406 {offsets = [0, 33], sizes = [64, 991], strides = [1, 1]} : vector<64x1024xf32> to vector<64x991xf32>
    %broadcast_in_dim3A_479 = arith.constant 0.000000e+00 : f32
    %broadcast_in_dim3A_480 = vector.broadcast %broadcast_in_dim3A_479 : f32 to vector<64x33xf32>
    %concatenate3A_481 = tpu.concatenate %slice3A_478, %broadcast_in_dim3A_480 in 1 : vector<64x991xf32>, vector<64x33xf32> -> vector<64x1024xf32>
    %mul3A_482 = arith.mulf %concatenate3A_481, %convert_element_type3A_25 : vector<64x1024xf32>
    %broadcast_in_dim3A_483 = arith.constant 0.000000e+00 : f32
    %broadcast_in_dim3A_484 = vector.broadcast %broadcast_in_dim3A_483 : f32 to vector<64x1024xf32>
    %get3A_485 = arith.constant 0 : index
    %get3A_486 = memref.load %arg6[%get3A_485] : memref<1xf32, #tpu.memory_space<smem>>
    %add3A_487 = vector.broadcast %get3A_486 : f32 to vector<64x1024xf32>
    %add3A_488 = arith.addf %broadcast_in_dim3A_484, %add3A_487 : vector<64x1024xf32>
    %get3A_489 = arith.constant 0 : index
    %get3A_490 = arith.constant 0 : index
    %get3A_491 = arith.constant 0 : index
    %get3A_492 = arith.constant 0 : index
    %get3A_493 = memref.load %arg5[%get3A_489, %get3A_490, %get3A_491, %get3A_492] : memref<1x2x3x3xf32, #tpu.memory_space<smem>>
    %mul3A_494 = vector.broadcast %get3A_493 : f32 to vector<64x1024xf32>
    %mul3A_495 = arith.mulf %mul3A_494, %mul3A_411 : vector<64x1024xf32>
    %add3A_496 = arith.addf %add3A_488, %mul3A_495 : vector<64x1024xf32>
    %get3A_497 = arith.constant 0 : index
    %get3A_498 = arith.constant 0 : index
    %get3A_499 = arith.constant 0 : index
    %get3A_500 = arith.constant 1 : index
    %get3A_501 = memref.load %arg5[%get3A_497, %get3A_498, %get3A_499, %get3A_500] : memref<1x2x3x3xf32, #tpu.memory_space<smem>>
    %mul3A_502 = vector.broadcast %get3A_501 : f32 to vector<64x1024xf32>
    %mul3A_503 = arith.mulf %mul3A_502, %concatenate3A_415 : vector<64x1024xf32>
    %add3A_504 = arith.addf %add3A_496, %mul3A_503 : vector<64x1024xf32>
    %get3A_505 = arith.constant 0 : index
    %get3A_506 = arith.constant 0 : index
    %get3A_507 = arith.constant 0 : index
    %get3A_508 = arith.constant 2 : index
    %get3A_509 = memref.load %arg5[%get3A_505, %get3A_506, %get3A_507, %get3A_508] : memref<1x2x3x3xf32, #tpu.memory_space<smem>>
    %mul3A_510 = vector.broadcast %get3A_509 : f32 to vector<64x1024xf32>
    %mul3A_511 = arith.mulf %mul3A_510, %mul3A_420 : vector<64x1024xf32>
    %add3A_512 = arith.addf %add3A_504, %mul3A_511 : vector<64x1024xf32>
    %get3A_513 = arith.constant 0 : index
    %get3A_514 = arith.constant 0 : index
    %get3A_515 = arith.constant 1 : index
    %get3A_516 = arith.constant 0 : index
    %get3A_517 = memref.load %arg5[%get3A_513, %get3A_514, %get3A_515, %get3A_516] : memref<1x2x3x3xf32, #tpu.memory_space<smem>>
    %mul3A_518 = vector.broadcast %get3A_517 : f32 to vector<64x1024xf32>
    %mul3A_519 = arith.mulf %mul3A_518, %mul3A_425 : vector<64x1024xf32>
    %add3A_520 = arith.addf %add3A_512, %mul3A_519 : vector<64x1024xf32>
    %get3A_521 = arith.constant 0 : index
    %get3A_522 = arith.constant 0 : index
    %get3A_523 = arith.constant 1 : index
    %get3A_524 = arith.constant 1 : index
    %get3A_525 = memref.load %arg5[%get3A_521, %get3A_522, %get3A_523, %get3A_524] : memref<1x2x3x3xf32, #tpu.memory_space<smem>>
    %mul3A_526 = vector.broadcast %get3A_525 : f32 to vector<64x1024xf32>
    %mul3A_527 = arith.mulf %mul3A_526, %max3A_253 : vector<64x1024xf32>
    %add3A_528 = arith.addf %add3A_520, %mul3A_527 : vector<64x1024xf32>
    %get3A_529 = arith.constant 0 : index
    %get3A_530 = arith.constant 0 : index
    %get3A_531 = arith.constant 1 : index
    %get3A_532 = arith.constant 2 : index
    %get3A_533 = memref.load %arg5[%get3A_529, %get3A_530, %get3A_531, %get3A_532] : memref<1x2x3x3xf32, #tpu.memory_space<smem>>
    %mul3A_534 = vector.broadcast %get3A_533 : f32 to vector<64x1024xf32>
    %mul3A_535 = arith.mulf %mul3A_534, %mul3A_430 : vector<64x1024xf32>
    %add3A_536 = arith.addf %add3A_528, %mul3A_535 : vector<64x1024xf32>
    %get3A_537 = arith.constant 0 : index
    %get3A_538 = arith.constant 0 : index
    %get3A_539 = arith.constant 2 : index
    %get3A_540 = arith.constant 0 : index
    %get3A_541 = memref.load %arg5[%get3A_537, %get3A_538, %get3A_539, %get3A_540] : memref<1x2x3x3xf32, #tpu.memory_space<smem>>
    %mul3A_542 = vector.broadcast %get3A_541 : f32 to vector<64x1024xf32>
    %mul3A_543 = arith.mulf %mul3A_542, %mul3A_435 : vector<64x1024xf32>
    %add3A_544 = arith.addf %add3A_536, %mul3A_543 : vector<64x1024xf32>
    %get3A_545 = arith.constant 0 : index
    %get3A_546 = arith.constant 0 : index
    %get3A_547 = arith.constant 2 : index
    %get3A_548 = arith.constant 1 : index
    %get3A_549 = memref.load %arg5[%get3A_545, %get3A_546, %get3A_547, %get3A_548] : memref<1x2x3x3xf32, #tpu.memory_space<smem>>
    %mul3A_550 = vector.broadcast %get3A_549 : f32 to vector<64x1024xf32>
    %mul3A_551 = arith.mulf %mul3A_550, %concatenate3A_439 : vector<64x1024xf32>
    %add3A_552 = arith.addf %add3A_544, %mul3A_551 : vector<64x1024xf32>
    %get3A_553 = arith.constant 0 : index
    %get3A_554 = arith.constant 0 : index
    %get3A_555 = arith.constant 2 : index
    %get3A_556 = arith.constant 2 : index
    %get3A_557 = memref.load %arg5[%get3A_553, %get3A_554, %get3A_555, %get3A_556] : memref<1x2x3x3xf32, #tpu.memory_space<smem>>
    %mul3A_558 = vector.broadcast %get3A_557 : f32 to vector<64x1024xf32>
    %mul3A_559 = arith.mulf %mul3A_558, %mul3A_444 : vector<64x1024xf32>
    %add3A_560 = arith.addf %add3A_552, %mul3A_559 : vector<64x1024xf32>
    %get3A_561 = arith.constant 0 : index
    %get3A_562 = arith.constant 1 : index
    %get3A_563 = arith.constant 0 : index
    %get3A_564 = arith.constant 0 : index
    %get3A_565 = memref.load %arg5[%get3A_561, %get3A_562, %get3A_563, %get3A_564] : memref<1x2x3x3xf32, #tpu.memory_space<smem>>
    %mul3A_566 = vector.broadcast %get3A_565 : f32 to vector<64x1024xf32>
    %mul3A_567 = arith.mulf %mul3A_566, %mul3A_449 : vector<64x1024xf32>
    %add3A_568 = arith.addf %add3A_560, %mul3A_567 : vector<64x1024xf32>
    %get3A_569 = arith.constant 0 : index
    %get3A_570 = arith.constant 1 : index
    %get3A_571 = arith.constant 0 : index
    %get3A_572 = arith.constant 1 : index
    %get3A_573 = memref.load %arg5[%get3A_569, %get3A_570, %get3A_571, %get3A_572] : memref<1x2x3x3xf32, #tpu.memory_space<smem>>
    %mul3A_574 = vector.broadcast %get3A_573 : f32 to vector<64x1024xf32>
    %mul3A_575 = arith.mulf %mul3A_574, %concatenate3A_453 : vector<64x1024xf32>
    %add3A_576 = arith.addf %add3A_568, %mul3A_575 : vector<64x1024xf32>
    %get3A_577 = arith.constant 0 : index
    %get3A_578 = arith.constant 1 : index
    %get3A_579 = arith.constant 0 : index
    %get3A_580 = arith.constant 2 : index
    %get3A_581 = memref.load %arg5[%get3A_577, %get3A_578, %get3A_579, %get3A_580] : memref<1x2x3x3xf32, #tpu.memory_space<smem>>
    %mul3A_582 = vector.broadcast %get3A_581 : f32 to vector<64x1024xf32>
    %mul3A_583 = arith.mulf %mul3A_582, %mul3A_458 : vector<64x1024xf32>
    %add3A_584 = arith.addf %add3A_576, %mul3A_583 : vector<64x1024xf32>
    %get3A_585 = arith.constant 0 : index
    %get3A_586 = arith.constant 1 : index
    %get3A_587 = arith.constant 1 : index
    %get3A_588 = arith.constant 0 : index
    %get3A_589 = memref.load %arg5[%get3A_585, %get3A_586, %get3A_587, %get3A_588] : memref<1x2x3x3xf32, #tpu.memory_space<smem>>
    %mul3A_590 = vector.broadcast %get3A_589 : f32 to vector<64x1024xf32>
    %mul3A_591 = arith.mulf %mul3A_590, %mul3A_463 : vector<64x1024xf32>
    %add3A_592 = arith.addf %add3A_584, %mul3A_591 : vector<64x1024xf32>
    %get3A_593 = arith.constant 0 : index
    %get3A_594 = arith.constant 1 : index
    %get3A_595 = arith.constant 1 : index
    %get3A_596 = arith.constant 1 : index
    %get3A_597 = memref.load %arg5[%get3A_593, %get3A_594, %get3A_595, %get3A_596] : memref<1x2x3x3xf32, #tpu.memory_space<smem>>
    %mul3A_598 = vector.broadcast %get3A_597 : f32 to vector<64x1024xf32>
    %mul3A_599 = arith.mulf %mul3A_598, %max3A_406 : vector<64x1024xf32>
    %add3A_600 = arith.addf %add3A_592, %mul3A_599 : vector<64x1024xf32>
    %get3A_601 = arith.constant 0 : index
    %get3A_602 = arith.constant 1 : index
    %get3A_603 = arith.constant 1 : index
    %get3A_604 = arith.constant 2 : index
    %get3A_605 = memref.load %arg5[%get3A_601, %get3A_602, %get3A_603, %get3A_604] : memref<1x2x3x3xf32, #tpu.memory_space<smem>>
    %mul3A_606 = vector.broadcast %get3A_605 : f32 to vector<64x1024xf32>
    %mul3A_607 = arith.mulf %mul3A_606, %mul3A_468 : vector<64x1024xf32>
    %add3A_608 = arith.addf %add3A_600, %mul3A_607 : vector<64x1024xf32>
    %get3A_609 = arith.constant 0 : index
    %get3A_610 = arith.constant 1 : index
    %get3A_611 = arith.constant 2 : index
    %get3A_612 = arith.constant 0 : index
    %get3A_613 = memref.load %arg5[%get3A_609, %get3A_610, %get3A_611, %get3A_612] : memref<1x2x3x3xf32, #tpu.memory_space<smem>>
    %mul3A_614 = vector.broadcast %get3A_613 : f32 to vector<64x1024xf32>
    %mul3A_615 = arith.mulf %mul3A_614, %mul3A_473 : vector<64x1024xf32>
    %add3A_616 = arith.addf %add3A_608, %mul3A_615 : vector<64x1024xf32>
    %get3A_617 = arith.constant 0 : index
    %get3A_618 = arith.constant 1 : index
    %get3A_619 = arith.constant 2 : index
    %get3A_620 = arith.constant 1 : index
    %get3A_621 = memref.load %arg5[%get3A_617, %get3A_618, %get3A_619, %get3A_620] : memref<1x2x3x3xf32, #tpu.memory_space<smem>>
    %mul3A_622 = vector.broadcast %get3A_621 : f32 to vector<64x1024xf32>
    %mul3A_623 = arith.mulf %mul3A_622, %concatenate3A_477 : vector<64x1024xf32>
    %add3A_624 = arith.addf %add3A_616, %mul3A_623 : vector<64x1024xf32>
    %get3A_625 = arith.constant 0 : index
    %get3A_626 = arith.constant 1 : index
    %get3A_627 = arith.constant 2 : index
    %get3A_628 = arith.constant 2 : index
    %get3A_629 = memref.load %arg5[%get3A_625, %get3A_626, %get3A_627, %get3A_628] : memref<1x2x3x3xf32, #tpu.memory_space<smem>>
    %mul3A_630 = vector.broadcast %get3A_629 : f32 to vector<64x1024xf32>
    %mul3A_631 = arith.mulf %mul3A_630, %mul3A_482 : vector<64x1024xf32>
    %add3A_632 = arith.addf %add3A_624, %mul3A_631 : vector<64x1024xf32>
    %swap3A = arith.constant 0 : index
    %swap3A_633 = arith.constant 0 : index
    %swap3A_634 = vector.load %arg7[%swap3A, %swap3A_633] : memref<64x1024xf32, #tpu.memory_space<vmem>>, vector<64x1024xf32>
    tpu.vector_store %arg7[%swap3A, %swap3A_633], %add3A_632 {strides = array<i32>} : memref<64x1024xf32, #tpu.memory_space<vmem>>, vector<64x1024xf32>,
    return
  }
}

</mosaic_0001>

<sc_bundles>
// kernel: kernel.5.cloned.1.call-start
scs
__scs_entry_jumppad:
0x0: {  	(pc) =	sbr.rel $0x88, $3  }
0x1: {  	(tag) =	ssettag $0x0;
	lr =	simm.s32 $0x1  }
0x2: {  	[smem:$0x3F97] =	sst lr;
	_ =	strace $0xD0000000  }
0x3: {  	_ = 	snop  }
0x4: {  	_ = 	snop  }
0x5: {  	_ = 	snop  }
0x6: {  	_ = 	snop  }
0x7: {  	_ = 	snop  }
__scs_overlays_trampoline_lowered:
0x8: {  	[smem:$0x3FA6] =	sst s0  }
0x9: {  	[smem:$0x3FA7] =	sst s1  }
0xa: {  	[smem:$0x3FA8] =	sst s2  }
0xb: {  	[smem:$0x3FA9] =	sst s3  }
0xc: {  	[smem:$0x3FAA] =	sst s4  }
0xd: {  	[smem:$0x3FAB] =	sst s5  }
0xe: {  	[smem:$0x3FAC] =	sst s6  }
0xf: {  	[smem:$0x3FAD] =	sst s7  }
0x10: {  	[smem:$0x3FAE] =	sst s8  }
0x11: {  	[smem:$0x3FAF] =	sst s9;
	s0 =	simm.s32 @!p0 $0x0  }
0x12: {  	s1 =	sld [smem:$0x3F95];
	s0 =	simm.s32 @p0 $0x1  }
0x13: {  	[smem:$0x3FB0] =	sst s0;
	s0 =	simm.s32 @!p1 $0x0  }
0x14: {  	s2 =	sld [smem:$0x3F94];
	s0 =	simm.s32 @p1 $0x1  }
0x15: {  	[smem:$0x3FB1] =	sst s0;
	s0 =	simm.s32 @!p2 $0x0  }
0x16: {  	s3 =	sld [smem:$0x3FDB];
	s0 =	simm.s32 @p2 $0x1  }
0x17: {  	s4 =	simm.s32 $0x1BF5;
	[smem:$0x3FB3] =	sst s0  }
0x18: {  	s0 =	sld [smem:$0x3F96];
	_ =	swait.ge [sflag:s4], $0x0  }
0x19: {  	s7 =	sld [smem:$0x3F97]  }
0x1a: {  	s8 =	sadd.s32 $0xFFFFE003, lr  }
0x1b: {  	s9 =	sadd.s32 $0xFFFFFEF7, lr;
	s5 =	simm.s32 $0xFFFFFFFF;
	p2 =	slt.u32 s8, $0xFFFFF086  }
0x1c: {  	p1 =	slt.u32 s9, $0xF7A;
	s5 =	simm.s32 @!p2 $0x0  }
0x1d: {  	s5 =	simm.s32 @p1 $0x1;
	p0 =	seq.s32 s7, s2  }
0x1e: {  	s7 =	smul.u32 @!p0 $0xF7A, s2;
	p2 =	seq.s32 @!p0 s5, $0x0  }
0x1f: {  	s9 =	smul.u32 $0xF7A, s1;
	s8 =	simm.s32 @!p0 $0x1BF5;
	p2 =	por !p2, p0  }
0x20: {  	[sflag:s8] =	ssyncset.s32 @!p0 $0xFFFFF086;
	s6 =	sadd.s32 @!p0 s3, s7;
	s7 =	simm.s32 @!p0 $0x108  }
0x21: {  	s3 =	sadd.s32 s3, s9;
	s6 =	sadd.s32 @!p0 $0x88, s6;
	s7 =	simm.s32 @p2 $0x1082  }
0x22: {  	[simem:s7], [sflag:s8] =	dma.local @!p0 [hbm:s6], $0xF7A  }
0x23: {  	s9 =	sor.u32 $0xD0000000, s2;
	s6 =	simm.s32 $0x108;
	_ =	swait.ge @!p0 [sflag:s8], $0x0  }
0x24: {  	s3 =	sadd.s32 $0x88, s3;
	s6 =	simm.s32 @!p1 $0x1082;
	[sflag:s4] =	ssyncset.s32 $0xFFFFF086  }
0x25: {  	[simem:s6], [sflag:s4] =	dma.local [hbm:s3], $0xF7A  }
0x26: {  	[smem:$0x3F97] =	sst s1;
	(tag) =	ssettag s2;
	_ =	strace s9  }
0x27: {  	s1 =	sld [smem:$0x3FA7]  }
0x28: {  	s2 =	sld [smem:$0x3FA8]  }
0x29: {  	s4 =	sld [smem:$0x3FAA]  }
0x2a: {  	p0 =	seq.s32 s5, $0x0;
	s5 =	sld [smem:$0x3FAB]  }
0x2b: {  	s6 =	sld [smem:$0x3FAC]  }
0x2c: {  	s7 =	sld [smem:$0x3FAD]  }
0x2d: {  	s3 =	simm.s32 $0x108;
	s8 =	sld [smem:$0x3FAE]  }
0x2e: {  	s3 =	simm.s32 @!p0 $0x1082;
	s9 =	sld [smem:$0x3FAF]  }
0x2f: {  	lr =	sadd.s32 s0, s3;
	s0 =	sld [smem:$0x3FA6]  }
0x30: {  	s3 =	sld [smem:$0x3FA9]  }
0x31: {  	[smem:$0x3FB2] =	sst s10  }
0x32: {  	s10 =	sld [smem:$0x3FB0];
	_ =	sdelay $0x3  }
0x33: {  	p0 =	seq.s32 s10, $0x1;
	s10 =	sld [smem:$0x3FB2];
	_ =	sdelay $0x3  }
0x34: {  	[smem:$0x3FB2] =	sst s10  }
0x35: {  	s10 =	sld [smem:$0x3FB1];
	_ =	sdelay $0x3  }
0x36: {  	p1 =	seq.s32 s10, $0x1;
	s10 =	sld [smem:$0x3FB2];
	_ =	sdelay $0x3  }
0x37: {  	[smem:$0x3FB2] =	sst s10  }
0x38: {  	s10 =	sld [smem:$0x3FB3]  }
0x39: {  	_ = 	snop;
	(pc) =	sbr.ind lr, $3  }
0x3a: {  	_ = 	snop  }
0x3b: {  	_ = 	snop  }
0x3c: {  	p2 =	seq.s32 s10, $0x1;
	s10 =	sld [smem:$0x3FB2]  }
0x3d: {  	_ =	shalt  }
0x3e: {  	_ =	shalt  }
0x3f: {  	_ =	shalt  }
0x40: {  	_ =	shalt  }
0x41: {  	_ =	shalt  }
0x42: {  	_ =	shalt  }
0x43: {  	_ =	shalt  }
0x44: {  	_ =	shalt  }
0x45: {  	_ =	shalt  }
0x46: {  	_ =	shalt  }
0x47: {  	_ =	shalt  }
0x48: {  	_ =	shalt  }
0x49: {  	_ =	shalt  }
0x4a: {  	_ =	shalt  }
0x4b: {  	_ =	shalt  }
0x4c: {  	_ =	shalt  }
0x4d: {  	_ =	shalt  }
0x4e: {  	_ =	shalt  }
0x4f: {  	_ =	shalt  }
0x50: {  	_ =	shalt  }
0x51: {  	_ =	shalt  }
0x52: {  	_ =	shalt  }
0x53: {  	_ =	shalt  }
0x54: {  	_ =	shalt  }
0x55: {  	_ =	shalt  }
0x56: {  	_ =	shalt  }
0x57: {  	_ =	shalt  }
0x58: {  	_ =	shalt  }
0x59: {  	_ =	shalt  }
0x5a: {  	_ =	shalt  }
0x5b: {  	_ =	shalt  }
0x5c: {  	_ =	shalt  }
0x5d: {  	_ =	shalt  }
0x5e: {  	_ =	shalt  }
0x5f: {  	_ =	shalt  }
0x60: {  	_ =	shalt  }
0x61: {  	_ =	shalt  }
0x62: {  	_ =	shalt  }
0x63: {  	_ =	shalt  }
0x64: {  	_ =	shalt  }
0x65: {  	_ =	shalt  }
0x66: {  	_ =	shalt  }
0x67: {  	_ =	shalt  }
0x68: {  	_ =	shalt  }
0x69: {  	_ =	shalt  }
0x6a: {  	_ =	shalt  }
0x6b: {  	_ =	shalt  }
0x6c: {  	_ =	shalt  }
0x6d: {  	_ =	shalt  }
0x6e: {  	_ =	shalt  }
0x6f: {  	_ =	shalt  }
0x70: {  	_ =	shalt  }
0x71: {  	_ =	shalt  }
0x72: {  	_ =	shalt  }
0x73: {  	_ =	shalt  }
0x74: {  	_ =	shalt  }
0x75: {  	_ =	shalt  }
0x76: {  	_ =	shalt  }
0x77: {  	_ =	shalt  }
0x78: {  	_ =	shalt  }
0x79: {  	_ =	shalt  }
0x7a: {  	_ =	shalt  }
0x7b: {  	_ =	shalt  }
0x7c: {  	_ =	shalt  }
0x7d: {  	_ =	shalt  }
0x7e: {  	_ =	shalt  }
0x7f: {  	_ =	shalt  }
0x80: {  	_ =	shalt  }
0x81: {  	_ =	shalt  }
0x82: {  	_ =	shalt  }
0x83: {  	_ =	shalt  }
0x84: {  	_ =	shalt  }
0x85: {  	_ =	shalt  }
0x86: {  	_ =	shalt  }
0x87: {  	_ =	shalt  }
.Lfunc_end0:
.L_simem_size_0:
called_computation_lowered:
.L_overlay_start_0:
0x88: {  	s2 =	sld [smem:$0x3FD9]  }
0x89: {  	s3 =	sld [smem:$0x3FFE];
	_ =	sdelay $0x1  }
0x8a: {  	s1 =	srdreg.scid  }
0x8b: {  	s0 =	sand.u32 $0x1, s1  }
0x8c: {  	s17 =	sshll.u32 s0, $0xA;
	s2 =	sadd.s32 s3, s2  }
0x8d: {  	s2 =	sadd.s32 s2, s17  }
0x8e: {  	[smem:$0x3FBE] =	sst s2  }
0x8f: {  	_ = 	snop  }
0x90: {  	s2 =	sld [smem:$0x3FC8]  }
0x91: {  	s18 =	sld [smem:$0x3FD0];
	(tm) =	ssettm $0x1  }
0x92: {  	s4 =	sld [smem:$0x3FFB];
	_ =	sdelay $0x3  }
0x93: {  	_ =	strace s4  }
0x94: {  	s4 =	sld [smem:$0x3FFC];
	_ =	sdelay $0x3  }
0x95: {  	_ =	strace s4  }
0x96: {  	s4 =	sld [smem:$0x3FFD];
	_ =	sdelay $0x3  }
0x97: {  	_ =	strace s4  }
0x98: {  	_ =	strace $0x8FFFFFFF  }
0x99: {  	s19 =	sld [smem:$0x3FDB];
	_ =	sdelay $0x1  }
0x9a: {  	s5 =	simm.s32 $_scs_section_size  }
0x9b: {  	s6 =	simm.s32 $_size__tile_overlayer_lowered;
	s7 =	simm.s32 $_tile_overlayer_lowered  }
0x9c: {  	s22 =	simm.s32 $0x1BFF;
	s21 =	sshll.u32 s7, $0x1;
	s4 =	sadd.s32 s5, s19  }
0x9d: {  	s8 =	simm.s32 $0x0;
	s20 =	sshll.u32 s6, $0x1;
	s6 =	sadd.s32 s21, s4  }
0x9e: {  	[timem:s8], [sflag:s22] =	dma.local [hbm:s6], s20  }
0x9f: {  	_ =	swait.ge [sflag:s22], s20  }
0xa0: {  	s5 =	ssub.s32 $0x0, s20;
	[sflag:s22] =	ssyncset.done $0x0  }
0xa1: {  	[sflag:s22] =	ssyncadd.s32 s5;
	_ =	sdelay $0x1  }
0xa2: {  	s23 =	simm.s32 $0x1B8B  }
0xa3: {  	_ =	swait.ge [sflag:s23], $0x1  }
0xa4: {  	[sflag:s23] =	ssyncset.done $0x0  }
0xa5: {  	s25 =	simm.s32 $0x1B8E;
	s24 =	sld [smem:$0x3FFE];
	[sflag:s23] =	ssyncadd.s32 $0xFFFFFFFF  }
0xa6: {  	s26 =	simm.s32 $execute0_lowered;
	[smem:$0x3FD2] =	sst s25  }
0xa7: {  	s6 =	sshll.u32 s26, $0x1;
	_ =	strace $0x80000046;
	[dreg:$0x1] =	wrdreg $0xFFFFFFFF  }
0xa8: {  	s28 =	simm.s32 $_size_execute0_lowered;
	s4 =	sadd.s32 s4, s6;
	[dreg:$0x0] =	wrdreg $0x0  }
0xa9: {  	s6 =	sshll.u32 s28, $0x1;
	[dreg:$0x2] =	wrdreg s4  }
0xaa: {  	[dreg:$0x3] =	wrdreg s6  }
0xab: {  	[dreg:$0x4] =	wrdreg $0xC0  }
0xac: {  	_ =	task [dreg:s8], $0x5FFFF  }
0xad: {  	[dreg:$0x1] =	wrdreg $0xFFFFFFFF  }
0xae: {  	[dreg:$0x0] =	wrdreg $0x60  }
0xaf: {  	[dreg:$0x2] =	wrdreg s24  }
0xb0: {  	[dreg:$0x3] =	wrdreg s2  }
0xb1: {  	[dreg:$0x4] =	wrdreg s18  }
0xb2: {  	[dreg:$0x5] =	wrdreg $0x9  }
0xb3: {  	_ =	task.clear_ibuf [dreg:s8], $0x6FFFF;
	_ =	strace $0x90000046  }
0xb4: {  	s29 =	simm.s32 $0x9;
	_ =	strace $0x80000048  }
0xb5: {  	_ =	swait.ge [sflag:s29], $0x1  }
0xb6: {  	[sflag:s29] =	ssyncadd.s32 $0xFFFFFFFF  }
0xb7: {  	_ =	strace $0x90000048  }
0xb8: {  	_ =	sfence  }
0xb9: {  	s30 =	sld [smem:$0x0];
	_ =	sdelay $0x2  }
0xba: {  	s31 =	sshll.u32 s1, $0xD;
	s1 =	sshrl.u32 s1, $0x2  }
0xbb: {  	s3 =	sand.u32 $0x4000, s31;
	s1 =	sadd.s32 s1, s30  }
0xbc: {  	s0 =	sor.u32 s3, s0;
	s1 =	sshll.u32 s1, $0x11  }
0xbd: {  	s0 =	sor.u32 s1, s0  }
0xbe: {  	s0 =	sadd.s32 $0x8F2B, s0  }
0xbf: {  	[sflag:s0] =	ssyncadd.remote.s32 $0x1  }
0xc0: {  	_ =	sfence.sel $0xFFFF  }
0xc1: {  	[dreg:$0x0] =	wrdreg $0xFFFFFFFF;
	(pc) =	sbr.abs _section_cstart, $3  }
0xc2: {  	[dreg:$0x1] =	wrdreg $0xFFFFFFFF  }
0xc3: {  	_ =	task.clear_ibuf [dreg:s8], $0x2FFFF;
	_ =	strace $0x9FFFFFFF  }
0xc4: {  	(tm) =	ssettm $0x7FFFFFFF  }
0xc5: {  	_ =	shalt  }
tec
execute0_lowered:
.L_overlay_start_1:
0x0: {  	(tag) =	ssettag $0x1  }
0x1: {  	s0 =	rddreg [dreg:$0x0]  }
0x2: {  	s8 =	rddreg [dreg:$0x1]  }
0x3: {  	s10 =	rddreg [dreg:$0x2];
	s2 =	simm.s32 $0x0;
	s3 =	srdreg.scid  }
0x4: {  	s1 =	stileid.u32;
	s15 =	simm.s32 $0x80;
	s16 =	simm.s32 $0x400  }
0x5: {  	s17 =	simm.s32 $0x2000;
	s18 =	simm.s32 $0x1000;
	s19 =	simm.s32 $0x3000  }
0x6: {  	s20 =	simm.s32 $0x4000;
	s21 =	simm.s32 $0x8000;
	s22 =	simm.s32 $0x8400  }
0x7: {  	s23 =	simm.s32 $0x0;
	[smem:$0x7FF] =	sst s2;
	s7 =	sadd.s32 $0x1A00, s0  }
0x8: {  	s5 =	sand.u32 $0x1, s3;
	s25 =	sshll.u32 s1, $0x9;
	s9 =	sshrl.u32 s1, $0x1  }
0x9: {  	s3 =	sadd.s32 $0x9A00, s0;
	_ =	strace $0x80000047;
	s4 =	sshll.u32 s5, $0x8  }
0xa: {  	s6 =	sand.u32 $0x200, s25;
	s26 =	sshll.u32 s9, $0xF;
	s28 =	ssub.s32 $0x2, s5  }
0xb: {  	s9 =	sshll.u32 s9, $0xD;
	s11 =	sor.u32 s4, s6;
	s4 =	sadd.s32 $0x9C00, s0  }
0xc: {  	s12 =	sshrl.u32 s28, $0x1;
	s29 =	sor.u32 s26, s11;
	s14 =	sor.u32 $0x80, s11  }
0xd: {  	s0 =	ssub.s32 s28, s12;
	s11 =	sor.u32 s9, s11;
	s13 =	sshrl.u32 s29, $0x3  }
0xe: {  	s30 =	sor.u32 s26, s14;
	s9 =	sor.u32 s9, s14;
	s11 =	sshrl.u32 s11, $0x3  }
0xf: {  	s14 =	simm.s32 $0x7000;
	s5 =	sadd.s32 s7, s13;
	s6 =	sadd.s32 s8, s13  }
0x10: {  	s12 =	sshrl.u32 s30, $0x3;
	s31 =	sshrl.u32 s9, $0x3;
	s9 =	sadd.s32 s10, s11  }
0x11: {  	s11 =	smax.u32 s0, $0x1;
	s13 =	simm.s32 $0x1;
	s7 =	sadd.s32 s7, s12  }
0x12: {  	s8 =	sadd.s32 s8, s12;
	s10 =	sadd.s32 s10, s31;
	s12 =	simm.s32 $0x6000  }
.LBB2_1:
0x13: {  	[tilespmem:s12], [sflag:$0x1] =	stream.linear.gather [hbm4b:s3+s2], $0x1000, $0x38;
	[tilespmem:$0x8800] =	vst v63  }
0x14: {  	_ =	swait.ge [sflag:s13], $0x1000  }
0x15: {  	[sflag:s13] =	ssyncset.done $0x0  }
0x16: {  	[sflag:s13] =	ssyncadd.s32 $0xFFFFF000  }
0x17: {  	[tilespmem:s14], [sflag:$0x1] =	stream.linear.gather [hbm4b:s4+s2], $0x1000, $0x38;
	[tilespmem:$0x8800] =	vst v63  }
0x18: {  	_ =	swait.ge [sflag:s13], $0x1000  }
0x19: {  	[sflag:s13] =	ssyncset.done $0x0  }
0x1a: {  	[sflag:s13] =	ssyncadd.s32 $0xFFFFF000  }
0x1b: {  	[tilespmem:s2], [sflag:$0x1] =	stream.strided.gather [hbm4b:s5+s15], $0x1000, s16, s15, $0x38;
	[tilespmem:$0x8800] =	vst v63  }
0x1c: {  	_ =	swait.ge [sflag:s13], $0x1000  }
0x1d: {  	[sflag:s13] =	ssyncset.done $0x0  }
0x1e: {  	[sflag:s13] =	ssyncadd.s32 $0xFFFFF000  }
0x1f: {  	[tilespmem:s17], [sflag:$0x1] =	stream.strided.gather [hbm4b:s6+s15], $0x1000, s16, s15, $0x38;
	[tilespmem:$0x8800] =	vst v63  }
0x20: {  	_ =	swait.ge [sflag:s13], $0x1000  }
0x21: {  	[sflag:s13] =	ssyncset.done $0x0  }
0x22: {  	[sflag:s13] =	ssyncadd.s32 $0xFFFFF000  }
0x23: {  	[tilespmem:s18], [sflag:$0x1] =	stream.strided.gather [hbm4b:s7+s15], $0x1000, s16, s15, $0x38;
	[tilespmem:$0x8800] =	vst v63  }
0x24: {  	_ =	swait.ge [sflag:s13], $0x1000  }
0x25: {  	[sflag:s13] =	ssyncset.done $0x0  }
0x26: {  	[sflag:s13] =	ssyncadd.s32 $0xFFFFF000  }
0x27: {  	[tilespmem:s19], [sflag:$0x1] =	stream.strided.gather [hbm4b:s8+s15], $0x1000, s16, s15, $0x38;
	[tilespmem:$0x8800] =	vst v63  }
0x28: {  	_ =	swait.ge [sflag:s13], $0x1000  }
0x29: {  	[sflag:s13] =	ssyncset.done $0x0  }
0x2a: {  	s25 =	simm.s32 $0x0;
	[sflag:s13] =	ssyncadd.s32 $0xFFFFF000  }
0x2b: {  	v0 =	vld [tilespmem:s25+$0x2000];
	_ =	sdelay $0x4  }
0x2c: {  	(xrf0) =	vadd.scan.msk.s32 $0xffff, v0;
	_ =	sdelay $0x2  }
0x2d: {  	v2 =	vld [tilespmem:s25+$0x3000];
	_ =	sdelay $0x2  }
0x2e: {  	v1, _, _ =	vpop (xrf0)  }
0x2f: {  	(v2sf) =	vpush v1, $0xF  }
0x30: {  	s0 =	simm.s32 $0xFFFFFFFF;
	(xrf0) =	vadd.scan.msk.s32 $0xffff, v2  }
0x31: {  	v3 =	vadd.s32 s0, v1  }
0x32: {  	vm0 =	vgt.s32 v3, $0x0  }
0x33: {  	v3 =	vnsel vm0, $0x0, v3  }
0x34: {  	s24 =	simm.s32 $0x10  }
0x35: {  	v1 =	vld [tilespmem:s24+$0x2000]  }
0x36: {  	v4, _, _ =	vpop (xrf0)  }
0x37: {  	(v2sf) =	vpush v4, $0xF  }
0x38: {  	v4 =	vadd.s32 s0, v4;
	v3 =	vld.idx.msk [tilespmem:v3+s2+$0x0], $0xffff  }
0x39: {  	vm14 =	vgt.s32 v4, $0x0  }
0x3a: {  	v4 =	vnsel vm14, $0x0, v4;
	(xrf0) =	vadd.scan.msk.s32 $0xffff, v1  }
0x3b: {  	v0 =	vcvt.s32.f32 v0;
	v4 =	vadd.s32 $0x1000, v4;
	_ =	sdelay $0x1  }
0x3c: {  	v3 =	vmul.f32 v0, v3;
	v0 =	vld [tilespmem:s24+$0x3000]  }
0x3d: {  	s26 =	spop (v2sf)  }
0x3e: {  	[tilespmem:s25+$0x4000] =	vst v3;
	s28 =	sadd.s32 $0x0, s26  }
0x3f: {  	v3 =	vld.idx.msk [tilespmem:v4+s2+$0x0], $0xffff;
	v4, _, _ =	vpop (xrf0);
	s0 =	sadd.s32 $0xFFFFFFFF, s28  }
0x40: {  	(v2sf) =	vpush v4, $0xF;
	v5 =	vadd.s32 s0, v4  }
0x41: {  	(xrf0) =	vadd.scan.msk.s32 $0xffff, v0;
	vm15 =	vgt.s32 v5, $0x0  }
0x42: {  	v6 =	vcvt.s32.f32 v2;
	v2 =	vnsel vm15, $0x0, v5;
	_ =	sdelay $0x1  }
0x43: {  	s29 =	simm.s32 $0x20;
	v3 =	vmul.f32 v6, v3  }
0x44: {  	s31 =	simm.s32 $0xC0;
	s30 =	simm.s32 $0x0;
	s0 =	spop (v2sf)  }
.LBB2_2:
0x45: {  	p0 =	sne.s32 s31, $0x3FC0;
	v4 =	vld [tilespmem:s29+$0x2000];
	s26 =	simm.s32 $0x0;
	[tilespmem:s25+$0x5000] =	vst v3;
	s30 =	sadd.s32 s30, s0  }
0x46: {  	s25 =	smov.u32 s24;
	s24 =	smov.u32 s29;
	v2 =	vld.idx.msk [tilespmem:v2+s26+$0x0], $0xffff;
	s0 =	sadd.s32 $0xFFFFFFFF, s30;
	v3, _, _ =	vpop (xrf0)  }
0x47: {  	v5 =	vadd.s32 s0, v3;
	(v2sf) =	vpush v3, $0xF  }
0x48: {  	vm0 =	vgt.s32 v5, $0x0  }
0x49: {  	v3 =	vnsel vm0, $0x0, v5  }
0x4a: {  	v5 =	vcvt.s32.f32 v1;
	(xrf0) =	vadd.scan.msk.s32 $0xffff, v4;
	v3 =	vadd.s32 $0x1000, v3;
	v1 =	vmov v4;
	_ =	sdelay $0x1  }
0x4b: {  	v2 =	vmul.f32 v5, v2  }
0x4c: {  	v4 =	vld [tilespmem:s24+$0x3000]  }
0x4d: {  	[tilespmem:s25+$0x4000] =	vst v2;
	s0 =	spop (v2sf)  }
0x4e: {  	s28 =	sadd.s32 s28, s0;
	v3 =	vld.idx.msk [tilespmem:v3+s26+$0x0], $0xffff  }
0x4f: {  	s0 =	sadd.s32 $0xFFFFFFFF, s28;
	v2, _, _ =	vpop (xrf0)  }
0x50: {  	v5 =	vadd.s32 s0, v2;
	(v2sf) =	vpush v2, $0xF  }
.Ltmp0:
0x51: {  	vm0 =	vgt.s32 v5, $0x0;
	(xrf0) =	vadd.scan.msk.s32 $0xffff, v4;
	(pc) =	sbr.rel @p0 .LBB2_2-.Ltmp0, $3  }
0x52: {  	v2 =	vnsel vm0, $0x0, v5;
	v5 =	vcvt.s32.f32 v0;
	v0 =	vmov v4;
	_ =	sdelay $0x1  }
0x53: {  	v3 =	vmul.f32 v5, v3  }
0x54: {  	s29 =	sshra.s32 s31, $0x2;
	s31 =	sadd.s32 $0x40, s31;
	s0 =	spop (v2sf)  }
0x55: {  	_ = 	snop  }
0x56: {  	v4 =	vld [tilespmem:s29+$0x2000];
	v5, _, _ =	vpop (xrf0)  }
0x57: {  	s0 =	sadd.s32 s30, s0;
	(v2sf) =	vpush v5, $0xF  }
0x58: {  	[tilespmem:s25+$0x5000] =	vst v3;
	s30 =	sadd.s32 $0xFFFFFFFF, s0  }
0x59: {  	v2 =	vld.idx.msk [tilespmem:v2+s26+$0x0], $0xffff;
	v54 =	vadd.s32 s30, v5  }
0x5a: {  	vm0 =	vgt.s32 v54, $0x0  }
0x5b: {  	v3 =	vnsel vm0, $0x0, v54;
	(xrf0) =	vadd.scan.msk.s32 $0xffff, v4  }
0x5c: {  	v1 =	vcvt.s32.f32 v1;
	v3 =	vadd.s32 $0x1000, v3  }
0x5d: {  	v55 =	vld [tilespmem:s29+$0x3000]  }
0x5e: {  	v1 =	vmul.f32 v1, v2  }
0x5f: {  	s31 =	spop (v2sf)  }
0x60: {  	[tilespmem:s24+$0x4000] =	vst v1;
	s25 =	sadd.s32 s28, s31  }
0x61: {  	v1 =	vld.idx.msk [tilespmem:v3+s26+$0x0], $0xffff;
	s25 =	sadd.s32 $0xFFFFFFFF, s25;
	v56, _, _ =	vpop (xrf0)  }
0x62: {  	(xrf0) =	vadd.scan.msk.s32 $0xffff, v55;
	v57 =	vadd.s32 s25, v56  }
0x63: {  	vm14 =	vgt.s32 v57, $0x0  }
0x64: {  	v0 =	vcvt.s32.f32 v0;
	v3 =	vnsel vm14, $0x0, v57;
	_ =	sdelay $0x1  }
0x65: {  	v0 =	vmul.f32 v0, v1;
	s28 =	spop (v2sf)  }
0x66: {  	s0 =	sadd.s32 s0, s28  }
0x67: {  	(v2sf) =	vpush v56, $0xF;
	[tilespmem:s24+$0x5000] =	vst v0;
	v58, _, _ =	vpop (xrf0);
	s0 =	sadd.s32 $0xFFFFFFFF, s0  }
0x68: {  	(v2sf) =	vpush v58, $0xF;
	v59 =	vld.idx.msk [tilespmem:v3+s26+$0x0], $0xffff;
	v60 =	vadd.s32 s0, v58  }
0x69: {  	vm15 =	vgt.s32 v60, $0x0  }
0x6a: {  	v61 =	vnsel vm15, $0x0, v60  }
0x6b: {  	v62 =	vcvt.s32.f32 v4;
	v0 =	vadd.s32 $0x1000, v61;
	_ =	sdelay $0x1  }
0x6c: {  	v1 =	vmul.f32 v62, v59;
	_ =	sdelay $0x1  }
0x6d: {  	[tilespmem:s29+$0x4000] =	vst v1  }
0x6e: {  	v0 =	vld.idx.msk [tilespmem:v0+s26+$0x0], $0xffff;
	_ =	sdelay $0x1  }
0x6f: {  	p1 =	por $0x1, $0x1  }
.Ltmp1:
0x70: {  	v63 =	vcvt.s32.f32 v55;
	(pc) =	sbr.rel @!p1 .LBB2_4-.Ltmp1, $4  }
0x71: {  	_ = 	snop  }
0x72: {  	v0 =	vmul.f32 v63, v0  }
0x73: {  	s30 =	spop (v2sf)  }
0x74: {  	p0 =	por $0x0, $0x0;
	s24 =	simm.s32 $0x0;
	s31 =	spop (v2sf);
	[tilespmem:s29+$0x5000] =	vst v0  }
0x75: {  	v0 =	vld [tilespmem:s24+$0x6000];
	_ =	sdelay $0x1  }
0x76: {  	v1 =	vld [tilespmem:s24+$0x6400];
	_ =	sdelay $0x1  }
0x77: {  	v2 =	vld [tilespmem:s24+$0x6800]  }
0x78: {  	v3 =	vld [tilespmem:s24+$0x6C00];
	_ =	sdelay $0x1  }
0x79: {  	v4 =	vld [tilespmem:s24+$0x7000]  }
0x7a: {  	v0 =	vld.idx.msk [tilespmem:v0+s20+$0x0], $0xffff  }
0x7b: {  	v5 =	vld [tilespmem:s24+$0x7400]  }
0x7c: {  	v1 =	vld.idx.msk [tilespmem:v1+s20+$0x0], $0xffff  }
0x7d: {  	v6 =	vld [tilespmem:s24+$0x7800]  }
0x7e: {  	v2 =	vld.idx.msk [tilespmem:v2+s20+$0x0], $0xffff  }
0x7f: {  	v3 =	vld.idx.msk [tilespmem:v3+s20+$0x0], $0xffff;
	v0 =	vmul.f32 v0, v4  }
0x80: {  	v4 =	vld [tilespmem:s24+$0x7C00]  }
0x81: {  	v1 =	vmul.f32 v1, v5;
	v0 =	vadd.f32 $0.0e+00, v0  }
0x82: {  	v7 =	vld [tilespmem:s24+$0x6000]  }
0x83: {  	v5 =	vld [tilespmem:s24+$0x6400];
	v0 =	vadd.f32 v1, v0;
	v1 =	vmul.f32 v2, v6  }
0x84: {  	v2 =	vld [tilespmem:s24+$0x6800]  }
0x85: {  	v0 =	vadd.f32 v1, v0;
	v1 =	vmul.f32 v3, v4;
	v3 =	vld [tilespmem:s24+$0x6C00];
	_ =	sdelay $0x1  }
0x86: {  	v4 =	vadd.s32 $0x1000, v7;
	v0 =	vadd.f32 v1, v0  }
0x87: {  	v1 =	vadd.s32 $0x1000, v5  }
0x88: {  	[tilespmem:s24+$0x8000] =	vst v0;
	v0 =	vadd.s32 $0x1000, v2  }
0x89: {  	v5 =	vld [tilespmem:s24+$0x7400];
	v3 =	vadd.s32 $0x1000, v3  }
0x8a: {  	v2 =	vld [tilespmem:s24+$0x7000]  }
0x8b: {  	v4 =	vld.idx.msk [tilespmem:v4+s20+$0x0], $0xffff  }
0x8c: {  	v6 =	vld.idx.msk [tilespmem:v1+s20+$0x0], $0xffff  }
0x8d: {  	p1 =	por $0x1, $0x1;
	v1 =	vld.idx.msk [tilespmem:v0+s20+$0x0], $0xffff  }
.Ltmp2:
0x8e: {  	v0 =	vld.idx.msk [tilespmem:v3+s20+$0x0], $0xffff;
	(pc) =	sbr.rel @!p1 .LBB2_7-.Ltmp2, $4  }
0x8f: {  	v3 =	vld [tilespmem:s24+$0x7800]  }
0x90: {  	v4 =	vmul.f32 v4, v2  }
0x91: {  	v2 =	vld [tilespmem:s24+$0x7C00]  }
0x92: {  	s25 =	simm.s32 $0x10;
	s26 =	simm.s32 $0x80;
	p0 =	por $0x1, $0x1;
	v4 =	vadd.f32 $0.0e+00, v4;
	v5 =	vmul.f32 v6, v5  }
.LBB2_6:
0x93: {  	p1 =	sne.s32 s26, $0xFC0;
	v6 =	vld [tilespmem:s25+$0x6000]  }
0x94: {  	v7 =	vld [tilespmem:s25+$0x6400];
	v4 =	vadd.f32 v5, v4;
	v1 =	vmul.f32 v1, v3  }
0x95: {  	v3 =	vld [tilespmem:s25+$0x6800]  }
0x96: {  	v5 =	vld [tilespmem:s25+$0x6C00];
	v1 =	vadd.f32 v1, v4;
	v0 =	vmul.f32 v0, v2;
	_ =	sdelay $0x1  }
0x97: {  	v0 =	vadd.f32 v0, v1  }
0x98: {  	v1 =	vld [tilespmem:s25+$0x7400]  }
0x99: {  	v2 =	vld [tilespmem:s25+$0x7000];
	[tilespmem:s24+$0x8400] =	vst v0;
	s24 =	smov.u32 s25  }
0x9a: {  	v0 =	vld.idx.msk [tilespmem:v6+s20+$0x0], $0xffff  }
0x9b: {  	v4 =	vld.idx.msk [tilespmem:v7+s20+$0x0], $0xffff  }
0x9c: {  	v3 =	vld.idx.msk [tilespmem:v3+s20+$0x0], $0xffff  }
0x9d: {  	v5 =	vld.idx.msk [tilespmem:v5+s20+$0x0], $0xffff;
	_ =	sdelay $0x1  }
0x9e: {  	v6 =	vld [tilespmem:s24+$0x7800]  }
0x9f: {  	v0 =	vmul.f32 v0, v2;
	v2 =	vld [tilespmem:s24+$0x7C00]  }
0xa0: {  	v7 =	vld [tilespmem:s24+$0x6000]  }
0xa1: {  	v1 =	vmul.f32 v4, v1;
	v0 =	vadd.f32 $0.0e+00, v0;
	v4 =	vld [tilespmem:s24+$0x6400]  }
0xa2: {  	v8 =	vld [tilespmem:s24+$0x6800]  }
0xa3: {  	v0 =	vadd.f32 v1, v0;
	v1 =	vmul.f32 v3, v6;
	v3 =	vld [tilespmem:s24+$0x6C00];
	_ =	sdelay $0x1  }
0xa4: {  	v0 =	vadd.f32 v1, v0;
	v1 =	vmul.f32 v5, v2;
	v2 =	vadd.s32 $0x1000, v7  }
0xa5: {  	v4 =	vadd.s32 $0x1000, v4  }
0xa6: {  	v0 =	vadd.f32 v1, v0;
	v1 =	vadd.s32 $0x1000, v8  }
0xa7: {  	v5 =	vld [tilespmem:s24+$0x7400];
	v3 =	vadd.s32 $0x1000, v3  }
0xa8: {  	[tilespmem:s24+$0x8000] =	vst v0;
	v6 =	vld [tilespmem:s24+$0x7000]  }
0xa9: {  	v2 =	vld.idx.msk [tilespmem:v2+s20+$0x0], $0xffff  }
0xaa: {  	v7 =	vld.idx.msk [tilespmem:v4+s20+$0x0], $0xffff  }
0xab: {  	v1 =	vld.idx.msk [tilespmem:v1+s20+$0x0], $0xffff  }
0xac: {  	v0 =	vld.idx.msk [tilespmem:v3+s20+$0x0], $0xffff  }
.Ltmp3:
0xad: {  	(pc) =	sbr.rel @p1 .LBB2_6-.Ltmp3, $4  }
0xae: {  	v3 =	vld [tilespmem:s24+$0x7800]  }
0xaf: {  	v4 =	vmul.f32 v2, v6  }
0xb0: {  	v2 =	vld [tilespmem:s24+$0x7C00]  }
0xb1: {  	s25 =	sshra.s32 s26, $0x2;
	s26 =	sadd.s32 $0x40, s26;
	v5 =	vmul.f32 v7, v5;
	v4 =	vadd.f32 $0.0e+00, v4  }
.LBB2_7:
0xb2: {  	v6 =	vld [tilespmem:s25+$0x6000]  }
0xb3: {  	v44 =	vld [tilespmem:s25+$0x6400];
	v4 =	vadd.f32 @p0 v5, v4;
	v1 =	vmul.f32 @p0 v1, v3  }
0xb4: {  	v45 =	vld [tilespmem:s25+$0x6800]  }
0xb5: {  	v1 =	vadd.f32 @p0 v1, v4;
	v0 =	vmul.f32 @p0 v0, v2  }
0xb6: {  	v46 =	vld [tilespmem:s25+$0x6C00]  }
0xb7: {  	v0 =	vadd.f32 @p0 v0, v1  }
0xb8: {  	v47 =	vld [tilespmem:s25+$0x7400]  }
0xb9: {  	v48 =	vld [tilespmem:s25+$0x7000];
	[tilespmem:s24+$0x8400] =	vst @p0 v0  }
0xba: {  	v0 =	vld.idx.msk [tilespmem:v6+s20+$0x0], $0xffff  }
0xbb: {  	v3 =	vld.idx.msk [tilespmem:v44+s20+$0x0], $0xffff  }
0xbc: {  	v5 =	vld.idx.msk [tilespmem:v45+s20+$0x0], $0xffff  }
0xbd: {  	v49 =	vld [tilespmem:s25+$0x7800]  }
0xbe: {  	v2 =	vld.idx.msk [tilespmem:v46+s20+$0x0], $0xffff  }
0xbf: {  	v50 =	vld [tilespmem:s25+$0x7C00];
	v0 =	vmul.f32 v0, v48  }
0xc0: {  	v7 =	vld [tilespmem:s25+$0x6000]  }
0xc1: {  	v1 =	vmul.f32 v3, v47;
	v0 =	vadd.f32 $0.0e+00, v0  }
0xc2: {  	v51 =	vld [tilespmem:s25+$0x6400]  }
0xc3: {  	v52 =	vmul.f32 v5, v49;
	v0 =	vadd.f32 v1, v0  }
0xc4: {  	v53 =	vld [tilespmem:s25+$0x6800]  }
0xc5: {  	v54 =	vmul.f32 v2, v50;
	v56 =	vadd.s32 $0x1000, v7;
	v0 =	vadd.f32 v52, v0  }
0xc6: {  	v55 =	vld [tilespmem:s25+$0x6C00]  }
0xc7: {  	v57 =	vadd.s32 $0x1000, v51;
	v0 =	vadd.f32 v54, v0;
	_ =	sdelay $0x1  }
0xc8: {  	v59 =	vld [tilespmem:s25+$0x7000];
	v5 =	vadd.s32 $0x1000, v53;
	[tilespmem:s25+$0x8000] =	vst v0  }
0xc9: {  	v4 =	vld.idx.msk [tilespmem:v56+s20+$0x0], $0xffff  }
0xca: {  	v58 =	vld [tilespmem:s25+$0x7400];
	v2 =	vadd.s32 $0x1000, v55  }
0xcb: {  	v1 =	vld.idx.msk [tilespmem:v57+s20+$0x0], $0xffff  }
0xcc: {  	v60 =	vld [tilespmem:s25+$0x7800]  }
0xcd: {  	v5 =	vld.idx.msk [tilespmem:v5+s20+$0x0], $0xffff  }
0xce: {  	v61 =	vld [tilespmem:s25+$0x7C00];
	v0 =	vmul.f32 v4, v59  }
0xcf: {  	v2 =	vld.idx.msk [tilespmem:v2+s20+$0x0], $0xffff  }
0xd0: {  	v1 =	vmul.f32 v1, v58;
	v0 =	vadd.f32 $0.0e+00, v0;
	_ =	sdelay $0x1  }
0xd1: {  	v62 =	vmul.f32 v5, v60;
	v0 =	vadd.f32 v1, v0;
	_ =	sdelay $0x1  }
0xd2: {  	v63 =	vmul.f32 v2, v61;
	v0 =	vadd.f32 v62, v0;
	_ =	sdelay $0x1  }
0xd3: {  	v0 =	vadd.f32 v63, v0;
	_ =	sdelay $0x1  }
0xd4: {  	[tilespmem:s25+$0x8400] =	vst v0  }
0xd5: {  	[hbm4b:s9+s15] =	stream.strided.scatter [tilespmem:s21], [sflag:$0x1], $0x400, s16, s15, $0x38;
	[tilespmem:$0x8800] =	vst v63  }
0xd6: {  	_ =	swait.ge [sflag:s13], $0x400  }
0xd7: {  	s23 =	sadd.s32 $0x1, s23;
	[sflag:s13] =	ssyncset.done $0x0  }
0xd8: {  	p0 =	sne.s32 s23, s11;
	[sflag:s13] =	ssyncadd.s32 $0xFFFFFC00  }
0xd9: {  	[hbm4b:s10+s15] =	stream.strided.scatter [tilespmem:s22], [sflag:$0x1], $0x400, s16, s15, $0x38;
	[tilespmem:$0x8800] =	vst v63  }
.Ltmp4:
0xda: {  	_ = 	snop;
	(pc) =	sbr.rel @p0 .LBB2_1-.Ltmp4, $4  }
.Ltmp5:
0xdb: {  	_ = 	snop;
	(pc) =	sbr.rel @!p0 .LBB2_8-.Ltmp5, $4  }
0xdc: {  	_ =	swait.ge [sflag:s13], $0x400  }
0xdd: {  	[sflag:s13] =	ssyncset.done $0x0  }
0xde: {  	[sflag:s13] =	ssyncadd.s32 $0xFFFFFC00  }
0xdf: {  	_ = 	snop  }
.LBB2_4:
.Ltmp6:
0xe0: {  	(pc) =	sbr.rel .LBB2_7-.Ltmp6, $2  }
0xe1: {  	_ =	sdelay $0x2  }
0xe2: {  	s25 =	simm.s32 $0x0  }
.LBB2_8:
0xe3: {  	_ =	sfence.sel $0x180000  }
0xe4: {  	[bflag:$0x0] =	sbarrier.arrive $0xFFFF  }
0xe5: {  	_ =	strace $0x90000047  }
0xe6: {  	[bflag:$0x2] =	sbarrier.arrive $0xFFFF  }
0xe7: {  	p0 =	sne.s32 s1, $0x0;
	s0 =	rddreg [dreg:$0x3]  }
0xe8: {  	s0 =	sadd.s32 @!p0 $0x100000, s0  }
0xe9: {  	[sflag:s0] =	ssyncadd.tile.s32 @!p0 $0x1;
	_ =	shalt  }
.Lfunc_end2:
_tile_overlayer_lowered:
.L_overlay_start_2:
0xea: {  	(tag) =	ssettag $0x2  }
0xeb: {  	s0 =	rddreg [dreg:$0x0];
	s2 =	stileid.u32  }
0xec: {  	s1 =	rddreg [dreg:$0x1];
	p0 =	sne.s32 s2, $0x0  }
0xed: {  	s3 =	rddreg [dreg:$0x2];
	[bflag:$0x3] =	sbarrier.arrive $0xFFFF;
	s2 =	simm.s32 @!p0 $0x1C01  }
0xee: {  	[timem:s3], [sflag:s2] =	dma.local @!p0 [hbm:s0], s1  }
0xef: {  	s0 =	simm.s32 @!p0 $0x1  }
0xf0: {  	_ =	swait.ge @!p0 [sflag:s0], s1  }
0xf1: {  	s1 =	ssub.s32 @!p0 $0x0, s1;
	[sflag:s0] =	ssyncset.done @!p0 $0x0  }
0xf2: {  	[sflag:s0] =	ssyncadd.s32 @!p0 s1  }
0xf3: {  	[bflag:$0x3] =	sbarrier.arrive $0xFFFF  }
0xf4: {  	_ =	shalt  }

</sc_bundles>
